<compile_context>
chip_gen: v7x
topology: tpu7x:2x2x1
jax: 0.10.2.dev20260603
libtpu: 0.0.44.dev20260713+nightly
codegen_flags: <defaults>
</compile_context>

<pallas_src>
import functools

import jax
import jax.numpy as jnp
from jax import lax
from jax.experimental import pallas as pl
from jax.experimental.pallas import tpu as pltpu
from jax.experimental.pallas import tpu_sc as plsc

N = 10000
E = 320000
D = 128
DH = 64
DW = 16
NC, NS = 2, 16
NW = NC * NS
C = 256
E2 = 327680
NCH1 = E2 // (NS * C)
NCH2 = E2 // (NW * C)
NP = 10112
RPS = NP // NS

_MESH = plsc.VectorSubcoreMesh(core_axis_name="c", subcore_axis_name="s")


@functools.partial(
    pl.kernel,
    out_type=[
        jax.ShapeDtypeStruct((NC, NP, DH), jnp.bfloat16),
        jax.ShapeDtypeStruct((NC, NP, DW), jnp.float32),
    ],
    mesh=_MESH,
    compiler_params=pltpu.CompilerParams(use_tc_tiling_on_sc=False),
    scratch_types=[
        pltpu.VMEM((NCH1, C), jnp.int32),
        pltpu.VMEM((NCH1, C), jnp.int32),
        pltpu.VMEM((C, DH), jnp.bfloat16),
        pltpu.VMEM((C, DH), jnp.bfloat16),
        pltpu.VMEM((C, DW), jnp.float32),
        pltpu.VMEM_SHARED((NP, DH), jnp.bfloat16),
        pltpu.VMEM_SHARED((NP, DW), jnp.float32),
        pltpu.SemaphoreType.DMA,
        pltpu.SemaphoreType.DMA,
        pltpu.SemaphoreType.DMA,
    ],
)
def _sc_agg_wide(src_hbm, dst_hbm, y_hbm, zh_hbm, zw_hbm,
                 sum_out, cnt_out,
                 src_v, dst_v, rows_a, rows_b, ones_v,
                 acc_sh, cnt_sh,
                 sem_a, sem_b, sem_c):
    cid = lax.axis_index("c")
    sid = lax.axis_index("s")

    pltpu.sync_copy(zh_hbm.at[pl.ds(sid * RPS, RPS)],
                    acc_sh.at[pl.ds(sid * RPS, RPS)])
    pltpu.sync_copy(zw_hbm.at[pl.ds(sid * RPS, RPS)],
                    cnt_sh.at[pl.ds(sid * RPS, RPS)])

    pltpu.sync_copy(src_hbm.at[sid], src_v)
    pltpu.sync_copy(dst_hbm.at[sid], dst_v)

    @pl.loop(0, C)
    def _fill_ones(i):
        ones_v[i, :] = jnp.ones((DW,), jnp.float32)

    plsc.subcore_barrier()

    pltpu.async_copy(y_hbm.at[cid].at[src_v.at[0]], rows_a, sem_a)

    @pl.loop(0, NCH1 // 2)
    def _pair(j):
        i0 = 2 * j
        i1 = 2 * j + 1
        db = pltpu.async_copy(y_hbm.at[cid].at[src_v.at[i1]], rows_b, sem_b)
        pltpu.make_async_copy(y_hbm.at[cid].at[src_v.at[i0]], rows_a,
                              sem_a).wait()
        pltpu.sync_copy(rows_a, acc_sh.at[dst_v.at[i0]], add=True)

        @pl.when(cid == 0)
        def _count0():
            pltpu.async_copy(ones_v, cnt_sh.at[dst_v.at[i0]], sem_c,
                             add=True)

        @pl.when(j < NCH1 // 2 - 1)
        def _next():
            pltpu.async_copy(y_hbm.at[cid].at[src_v.at[i0 + 2]], rows_a,
                             sem_a)

        db.wait()
        pltpu.sync_copy(rows_b, acc_sh.at[dst_v.at[i1]], add=True)

        @pl.when(cid == 1)
        def _count1():
            pltpu.async_copy(ones_v, cnt_sh.at[dst_v.at[i1]], sem_c,
                             add=True)

    @pl.loop(0, NCH1 // 2)
    def _drain(i):
        pltpu.make_async_copy(ones_v, cnt_sh.at[dst_v.at[0]], sem_c).wait()

    plsc.subcore_barrier()

    pltpu.sync_copy(acc_sh.at[pl.ds(sid * RPS, RPS)],
                    sum_out.at[cid, pl.ds(sid * RPS, RPS)])

    pltpu.sync_copy(cnt_sh.at[pl.ds(sid * RPS, RPS)],
                    cnt_out.at[cid, pl.ds(sid * RPS, RPS)])


@functools.partial(
    pl.kernel,
    out_type=jax.ShapeDtypeStruct((NC, NP, DW), jnp.bfloat16),
    mesh=_MESH,
    compiler_params=pltpu.CompilerParams(use_tc_tiling_on_sc=False),
    scratch_types=[
        pltpu.VMEM((NCH2, C), jnp.int32),
        pltpu.VMEM((NCH2, C), jnp.int32),
        pltpu.VMEM((C, DW), jnp.bfloat16),
        pltpu.VMEM((C, DW), jnp.bfloat16),
        pltpu.VMEM_SHARED((NP, DW), jnp.bfloat16),
        pltpu.SemaphoreType.DMA,
        pltpu.SemaphoreType.DMA,
    ],
)
def _sc_agg_narrow(src_hbm, dst_hbm, t_hbm, zw_hbm, sum_out,
                   src_v, dst_v, rows_a, rows_b, acc_sh, sem_a, sem_b):
    cid = lax.axis_index("c")
    sid = lax.axis_index("s")
    wid = cid * NS + sid

    pltpu.sync_copy(zw_hbm.at[pl.ds(sid * RPS, RPS)],
                    acc_sh.at[pl.ds(sid * RPS, RPS)])
    pltpu.sync_copy(src_hbm.at[wid], src_v)
    pltpu.sync_copy(dst_hbm.at[wid], dst_v)

    plsc.subcore_barrier()

    pltpu.async_copy(t_hbm.at[src_v.at[0]], rows_a, sem_a)

    @pl.loop(0, NCH2 // 2)
    def _pair(j):
        i0 = 2 * j
        i1 = 2 * j + 1
        db = pltpu.async_copy(t_hbm.at[src_v.at[i1]], rows_b, sem_b)
        pltpu.make_async_copy(t_hbm.at[src_v.at[i0]], rows_a, sem_a).wait()
        pltpu.sync_copy(rows_a, acc_sh.at[dst_v.at[i0]], add=True)

        @pl.when(j < NCH2 // 2 - 1)
        def _next():
            pltpu.async_copy(t_hbm.at[src_v.at[i0 + 2]], rows_a, sem_a)

        db.wait()
        pltpu.sync_copy(rows_b, acc_sh.at[dst_v.at[i1]], add=True)

    plsc.subcore_barrier()

    pltpu.sync_copy(acc_sh.at[pl.ds(sid * RPS, RPS)],
                    sum_out.at[cid, pl.ds(sid * RPS, RPS)])


_BLK = 1000


def _tc_pre(x, W1l, W1r, b1l, b1r):
    def body(x_ref, wl_ref, wr_ref, bl_ref, br_ref, y_ref, u_ref):
        xb = x_ref[...]
        y = lax.dot_general(xb, wl_ref[...], (((1,), (1,)), ((), ())),
                            preferred_element_type=jnp.float32).astype(jnp.bfloat16)
        y_ref[0, :, :] = y[:, :DH]
        y_ref[1, :, :] = y[:, DH:]
        u_ref[...] = (lax.dot_general(xb, wr_ref[...], (((1,), (1,)), ((), ())),
                                      preferred_element_type=jnp.float32)
                      + bl_ref[...] + br_ref[...])

    full = pl.BlockSpec((D, D), lambda i: (0, 0))
    bias = pl.BlockSpec((1, D), lambda i: (0, 0))
    return pl.pallas_call(
        body,
        grid=(N // _BLK,),
        in_specs=[pl.BlockSpec((_BLK, D), lambda i: (i, 0)), full, full,
                  bias, bias],
        out_specs=[pl.BlockSpec((NC, _BLK, DH), lambda i: (0, i, 0)),
                   pl.BlockSpec((_BLK, D), lambda i: (i, 0))],
        out_shape=[jax.ShapeDtypeStruct((NC, N, DH), jnp.bfloat16),
                   jax.ShapeDtypeStruct((N, D), jnp.float32)],
    )(x, W1l, W1r, b1l.reshape(1, D), b1r.reshape(1, D))


def _tc_mid(s1, cnt, u, W2l, W2r, Wlin):
    def body(s_ref, c_ref, u_ref, w2l_ref, w2r_ref, wlin_ref, t_ref, tb_ref):
        s = jnp.concatenate([s_ref[0], s_ref[1]], axis=1).astype(jnp.float32)
        cntv = jnp.maximum(c_ref[0, :, 0:1] + c_ref[1, :, 0:1], 1.0)
        h = jnp.maximum(s / cntv + u_ref[...], 0.0)
        wl = wlin_ref[...]
        m = lax.dot_general(wl, w2l_ref[...], (((1,), (0,)), ((), ())),
                            preferred_element_type=jnp.float32)
        r = lax.dot_general(wl, w2r_ref[...], (((1,), (0,)), ((), ())),
                            preferred_element_type=jnp.float32)
        g = jnp.concatenate([m, r, jnp.zeros((DW - 4, D), jnp.float32)], axis=0)
        t = lax.dot_general(h, g, (((1,), (1,)), ((), ())),
                            preferred_element_type=jnp.float32)
        t_ref[...] = t
        tb_ref[...] = t.astype(jnp.bfloat16)

    full = pl.BlockSpec((D, D), lambda i: (0, 0))
    return pl.pallas_call(
        body,
        grid=(N // _BLK,),
        in_specs=[pl.BlockSpec((NC, _BLK, DH), lambda i: (0, i, 0)),
                  pl.BlockSpec((NC, _BLK, DW), lambda i: (0, i, 0)),
                  pl.BlockSpec((_BLK, D), lambda i: (i, 0)),
                  full, full,
                  pl.BlockSpec((2, D), lambda i: (0, 0))],
        out_specs=[pl.BlockSpec((_BLK, DW), lambda i: (i, 0)),
                   pl.BlockSpec((_BLK, DW), lambda i: (i, 0))],
        out_shape=[jax.ShapeDtypeStruct((N, DW), jnp.float32),
                   jax.ShapeDtypeStruct((N, DW), jnp.bfloat16)],
    )(s1, cnt, u, W2l, W2r, Wlin)


def _tc_post(s2, cnt, t, Wlin, b2l, b2r, blin):
    def body(s_ref, c_ref, t_ref, wlin_ref, bl_ref, br_ref, blin_ref, o_ref):
        s = s_ref[0].astype(jnp.float32) + s_ref[1].astype(jnp.float32)
        cntv = jnp.maximum(c_ref[0, :, 0:1] + c_ref[1, :, 0:1], 1.0)
        agg = s[:, 0:2] / cntv
        b2 = bl_ref[...] + br_ref[...]
        cconst = lax.dot_general(b2, wlin_ref[...], (((1,), (1,)), ((), ())),
                                 preferred_element_type=jnp.float32)
        o_ref[...] = agg + t_ref[:, 2:4] + cconst + blin_ref[...]

    return pl.pallas_call(
        body,
        grid=(N // _BLK,),
        in_specs=[pl.BlockSpec((NC, _BLK, DW), lambda i: (0, i, 0)),
                  pl.BlockSpec((NC, _BLK, DW), lambda i: (0, i, 0)),
                  pl.BlockSpec((_BLK, DW), lambda i: (i, 0)),
                  pl.BlockSpec((2, D), lambda i: (0, 0)),
                  pl.BlockSpec((1, D), lambda i: (0, 0)),
                  pl.BlockSpec((1, D), lambda i: (0, 0)),
                  pl.BlockSpec((1, 2), lambda i: (0, 0))],
        out_specs=pl.BlockSpec((_BLK, 2), lambda i: (i, 0)),
        out_shape=jax.ShapeDtypeStruct((N, 2), jnp.float32),
    )(s2, cnt, t, Wlin, b2l.reshape(1, D), b2r.reshape(1, D),
      blin.reshape(1, 2))


def kernel(x, edge_index, W1l, b1l, W1r, b1r, W2l, b2l, W2r, b2r, Wlin, blin):
    pad = E2 - E
    srcp = jnp.concatenate([edge_index[0], jnp.zeros((pad,), jnp.int32)])
    dstp = jnp.concatenate([edge_index[1], jnp.full((pad,), N, jnp.int32)])
    src1 = srcp.reshape(NS, NCH1, C)
    dst1 = dstp.reshape(NS, NCH1, C)
    src2 = srcp.reshape(NW, NCH2, C)
    dst2 = dstp.reshape(NW, NCH2, C)
    zh = jnp.zeros((NP, DH), jnp.bfloat16)
    zw = jnp.zeros((NP, DW), jnp.float32)
    zwb = jnp.zeros((NP, DW), jnp.bfloat16)

    y, u = _tc_pre(x, W1l, W1r, b1l, b1r)
    s1, cnt = _sc_agg_wide(src1, dst1, y, zh, zw)
    t, tb = _tc_mid(s1, cnt, u, W2l, W2r, Wlin)
    s2 = _sc_agg_narrow(src2, dst2, tb, zwb)
    return _tc_post(s2, cnt, t, Wlin, b2l, b2r, blin)

# --- scband reference (transcript-rebuilt; emitter-appended) ---
"""Pipeline reference for scband-improved-graph-sage-58042188038363 (READ-ONLY COPY).

The authoritative reference and input builder live on the scoring server;
editing this copy changes nothing except your own understanding.
"""

import jax, jax.numpy as jnp
import numpy as np

N_NODES = 10000
N_EDGES = 320000
D_IN = 128
D_HID = 128
D_OUT = 2


def _xavier(key, fan_out, fan_in):
    a = np.sqrt(6.0 / (fan_in + fan_out))
    return jax.random.uniform(key, (fan_out, fan_in), dtype=jnp.float32, minval=-a, maxval=a)


def setup_inputs(seed: int = 0) -> dict:
    key = jax.random.key(seed)
    ks = jax.random.split(key, 8)
    x = jax.random.normal(ks[0], (N_NODES, D_IN), dtype=jnp.float32)
    edge_index = jax.random.randint(ks[1], (2, N_EDGES), 0, N_NODES, dtype=jnp.int32)
    W1l = _xavier(ks[2], D_HID, D_IN)
    b1l = jnp.zeros((D_HID,), dtype=jnp.float32)
    W1r = _xavier(ks[3], D_HID, D_IN)
    b1r = jnp.zeros((D_HID,), dtype=jnp.float32)
    W2l = _xavier(ks[4], D_HID, D_HID)
    b2l = jnp.zeros((D_HID,), dtype=jnp.float32)
    W2r = _xavier(ks[5], D_HID, D_HID)
    b2r = jnp.zeros((D_HID,), dtype=jnp.float32)
    Wlin = _xavier(ks[6], D_OUT, D_HID)
    blin = jnp.zeros((D_OUT,), dtype=jnp.float32)
    return {"x": x, "edge_index": edge_index, "W1l": W1l, "b1l": b1l, "W1r": W1r, "b1r": b1r,
            "W2l": W2l, "b2l": b2l, "W2r": W2r, "b2r": b2r, "Wlin": Wlin, "blin": blin}


def _sage_conv_mean(x, src, dst, Wl, bl, Wr, br, num_nodes):
    # PyG SAGEConv with aggr='mean': out = lin_l(mean_{j in N(i)} x_j) + lin_r(x_i)
    msgs = jnp.take(x, src, axis=0)
    agg = jax.ops.segment_sum(msgs, dst, num_segments=num_nodes)
    cnt = jax.ops.segment_sum(jnp.ones((src.shape[0],), dtype=x.dtype), dst, num_segments=num_nodes)
    agg = agg / jnp.clip(cnt, 1.0, None)[:, None]
    return agg @ Wl.T + bl + x @ Wr.T + br


def reference(x, edge_index, W1l, b1l, W1r, b1r, W2l, b2l, W2r, b2r, Wlin, blin):
    src = edge_index[0]
    dst = edge_index[1]
    h = _sage_conv_mean(x, src, dst, W1l, b1l, W1r, b1r, N_NODES)
    h = jax.nn.relu(h)
    # dropout is identity in eval mode
    h = _sage_conv_mean(h, src, dst, W2l, b2l, W2r, b2r, N_NODES)
    out = h @ Wlin.T + blin
    return out

if __name__ == "__main__":
    import jax
    _d = setup_inputs()
    print(jax.jit(kernel)(*tuple(_d.values())))

</pallas_src>

<mosaic_0001>
#map = affine_map<(d0, d1) -> (0, 0, 0)>
#map1 = affine_map<(d0, d1) -> (0, 0)>
module attributes {stable_mosaic.version = 14 : i64} {
  func.func @_sc_agg_narrow(%arg0: i32, %arg1: i32, %arg2: memref<32x40x256xi32, #tpu.memory_space<hbm>>, %arg3: memref<32x40x256xi32, #tpu.memory_space<hbm>>, %arg4: memref<10000x16xbf16, #tpu.memory_space<hbm>>, %arg5: memref<10112x16xbf16, #tpu.memory_space<hbm>>, %arg6: memref<2x10112x16xbf16, #tpu.memory_space<hbm>>, %arg7: memref<40x256xi32, #tpu.memory_space<vmem>>, %arg8: memref<40x256xi32, #tpu.memory_space<vmem>>, %arg9: memref<256x16xbf16, #tpu.memory_space<vmem>>, %arg10: memref<256x16xbf16, #tpu.memory_space<vmem>>, %arg11: memref<10112x16xbf16, #tpu.memory_space<vmem_shared>>, %arg12: memref<!tpu.dma_semaphore, #tpu.memory_space<semaphore_mem>>, %arg13: memref<!tpu.dma_semaphore, #tpu.memory_space<semaphore_mem>>) attributes {dimension_semantics = [#tpu.dimension_semantics<core_parallel>, #tpu.dimension_semantics<subcore_parallel>], iteration_bounds = array<i64: 2, 16>, scalar_prefetch = 0 : i64, scratch_operands = 7 : i64, tpu.core_type = #tpu.core_type<sc_vector_subcore>, window_params = [{transform_indices = #map}, {transform_indices = #map}, {transform_indices = #map1}, {transform_indices = #map1}, {transform_indices = #map}]} {
    %mul3A = arith.constant 16 : i32
    %mul3A_0 = arith.muli %arg0, %mul3A : i32
    %add3A = arith.addi %mul3A_0, %arg1 : i32
    %mul3A_1 = arith.constant 632 : i32
    %mul3A_2 = arith.muli %arg1, %mul3A_1 : i32
    %mul3A_3 = arith.constant 632 : i32
    %mul3A_4 = arith.muli %arg1, %mul3A_3 : i32
    "tpu.region"() ({
      %run_scoped3A = tpu.sem_alloc : memref<!tpu.dma_semaphore, #tpu.memory_space<semaphore_mem>>
      %dma_start3A_20 = arith.constant 0 : i32
      %dma_start3A_21 = tpu.memref_slice %arg11[%mul3A_4, %dma_start3A_20] : memref<10112x16xbf16, #tpu.memory_space<vmem_shared>> -> memref<632x16xbf16, #tpu.memory_space<vmem_shared>>
      %dma_start3A_22 = arith.constant 0 : i32
      %dma_start3A_23 = tpu.memref_slice %arg5[%mul3A_2, %dma_start3A_22] : memref<10112x16xbf16, #tpu.memory_space<hbm>> -> memref<632x16xbf16, #tpu.memory_space<hbm>>
      tpu.enqueue_dma source(%dma_start3A_23 : memref<632x16xbf16, #tpu.memory_space<hbm>>) target(%dma_start3A_21 : memref<632x16xbf16, #tpu.memory_space<vmem_shared>>) target_semaphore(%run_scoped3A : memref<!tpu.dma_semaphore, #tpu.memory_space<semaphore_mem>>)
      %dma_wait3A = arith.constant 0 : i32
      %dma_wait3A_24 = tpu.memref_slice %arg11[%mul3A_4, %dma_wait3A] : memref<10112x16xbf16, #tpu.memory_space<vmem_shared>> -> memref<632x16xbf16, #tpu.memory_space<vmem_shared>>
      %dma_wait3A_25 = arith.constant 0 : i32
      %dma_wait3A_26 = tpu.memref_slice %arg5[%mul3A_2, %dma_wait3A_25] : memref<10112x16xbf16, #tpu.memory_space<hbm>> -> memref<632x16xbf16, #tpu.memory_space<hbm>>
      tpu.wait_dma2 semaphore(%run_scoped3A : memref<!tpu.dma_semaphore, #tpu.memory_space<semaphore_mem>>) src(%dma_wait3A_26 : memref<632x16xbf16, #tpu.memory_space<hbm>>) dst(%dma_wait3A_24 : memref<632x16xbf16, #tpu.memory_space<vmem_shared>>)
      tpu.yield
    }) : () -> ()
    "tpu.region"() ({
      %run_scoped3A = tpu.sem_alloc : memref<!tpu.dma_semaphore, #tpu.memory_space<semaphore_mem>>
      %dma_start3A_20 = arith.constant 0 : i32
      %dma_start3A_21 = arith.constant 0 : i32
      %dma_start3A_22 = tpu.memref_slice %arg2[%add3A, %dma_start3A_20, %dma_start3A_21] : memref<32x40x256xi32, #tpu.memory_space<hbm>> -> memref<1x40x256xi32, #tpu.memory_space<hbm>>
      %dma_start3A_23 = tpu.memref_squeeze %dma_start3A_22 : memref<1x40x256xi32, #tpu.memory_space<hbm>> -> memref<40x256xi32, #tpu.memory_space<hbm>>
      %dma_start3A_24 = arith.constant 0 : i32
      %dma_start3A_25 = arith.constant 0 : i32
      %dma_start3A_26 = tpu.memref_slice %arg2[%add3A, %dma_start3A_24, %dma_start3A_25] : memref<32x40x256xi32, #tpu.memory_space<hbm>> -> memref<1x40x256xi32, #tpu.memory_space<hbm>>
      %dma_start3A_27 = tpu.memref_squeeze %dma_start3A_26 : memref<1x40x256xi32, #tpu.memory_space<hbm>> -> memref<40x256xi32, #tpu.memory_space<hbm>>
      tpu.enqueue_dma source(%dma_start3A_27 : memref<40x256xi32, #tpu.memory_space<hbm>>) target(%arg7 : memref<40x256xi32, #tpu.memory_space<vmem>>) target_semaphore(%run_scoped3A : memref<!tpu.dma_semaphore, #tpu.memory_space<semaphore_mem>>)
      %dma_wait3A = arith.constant 0 : i32
      %dma_wait3A_28 = arith.constant 0 : i32
      %dma_wait3A_29 = tpu.memref_slice %arg2[%add3A, %dma_wait3A, %dma_wait3A_28] : memref<32x40x256xi32, #tpu.memory_space<hbm>> -> memref<1x40x256xi32, #tpu.memory_space<hbm>>
      %dma_wait3A_30 = tpu.memref_squeeze %dma_wait3A_29 : memref<1x40x256xi32, #tpu.memory_space<hbm>> -> memref<40x256xi32, #tpu.memory_space<hbm>>
      %dma_wait3A_31 = arith.constant 0 : i32
      %dma_wait3A_32 = arith.constant 0 : i32
      %dma_wait3A_33 = tpu.memref_slice %arg2[%add3A, %dma_wait3A_31, %dma_wait3A_32] : memref<32x40x256xi32, #tpu.memory_space<hbm>> -> memref<1x40x256xi32, #tpu.memory_space<hbm>>
      %dma_wait3A_34 = tpu.memref_squeeze %dma_wait3A_33 : memref<1x40x256xi32, #tpu.memory_space<hbm>> -> memref<40x256xi32, #tpu.memory_space<hbm>>
      tpu.wait_dma2 semaphore(%run_scoped3A : memref<!tpu.dma_semaphore, #tpu.memory_space<semaphore_mem>>) src(%dma_wait3A_34 : memref<40x256xi32, #tpu.memory_space<hbm>>) dst(%arg7 : memref<40x256xi32, #tpu.memory_space<vmem>>)
      tpu.yield
    }) : () -> ()
    "tpu.region"() ({
      %run_scoped3A = tpu.sem_alloc : memref<!tpu.dma_semaphore, #tpu.memory_space<semaphore_mem>>
      %dma_start3A_20 = arith.constant 0 : i32
      %dma_start3A_21 = arith.constant 0 : i32
      %dma_start3A_22 = tpu.memref_slice %arg3[%add3A, %dma_start3A_20, %dma_start3A_21] : memref<32x40x256xi32, #tpu.memory_space<hbm>> -> memref<1x40x256xi32, #tpu.memory_space<hbm>>
      %dma_start3A_23 = tpu.memref_squeeze %dma_start3A_22 : memref<1x40x256xi32, #tpu.memory_space<hbm>> -> memref<40x256xi32, #tpu.memory_space<hbm>>
      %dma_start3A_24 = arith.constant 0 : i32
      %dma_start3A_25 = arith.constant 0 : i32
      %dma_start3A_26 = tpu.memref_slice %arg3[%add3A, %dma_start3A_24, %dma_start3A_25] : memref<32x40x256xi32, #tpu.memory_space<hbm>> -> memref<1x40x256xi32, #tpu.memory_space<hbm>>
      %dma_start3A_27 = tpu.memref_squeeze %dma_start3A_26 : memref<1x40x256xi32, #tpu.memory_space<hbm>> -> memref<40x256xi32, #tpu.memory_space<hbm>>
      tpu.enqueue_dma source(%dma_start3A_27 : memref<40x256xi32, #tpu.memory_space<hbm>>) target(%arg8 : memref<40x256xi32, #tpu.memory_space<vmem>>) target_semaphore(%run_scoped3A : memref<!tpu.dma_semaphore, #tpu.memory_space<semaphore_mem>>)
      %dma_wait3A = arith.constant 0 : i32
      %dma_wait3A_28 = arith.constant 0 : i32
      %dma_wait3A_29 = tpu.memref_slice %arg3[%add3A, %dma_wait3A, %dma_wait3A_28] : memref<32x40x256xi32, #tpu.memory_space<hbm>> -> memref<1x40x256xi32, #tpu.memory_space<hbm>>
      %dma_wait3A_30 = tpu.memref_squeeze %dma_wait3A_29 : memref<1x40x256xi32, #tpu.memory_space<hbm>> -> memref<40x256xi32, #tpu.memory_space<hbm>>
      %dma_wait3A_31 = arith.constant 0 : i32
      %dma_wait3A_32 = arith.constant 0 : i32
      %dma_wait3A_33 = tpu.memref_slice %arg3[%add3A, %dma_wait3A_31, %dma_wait3A_32] : memref<32x40x256xi32, #tpu.memory_space<hbm>> -> memref<1x40x256xi32, #tpu.memory_space<hbm>>
      %dma_wait3A_34 = tpu.memref_squeeze %dma_wait3A_33 : memref<1x40x256xi32, #tpu.memory_space<hbm>> -> memref<40x256xi32, #tpu.memory_space<hbm>>
      tpu.wait_dma2 semaphore(%run_scoped3A : memref<!tpu.dma_semaphore, #tpu.memory_space<semaphore_mem>>) src(%dma_wait3A_34 : memref<40x256xi32, #tpu.memory_space<hbm>>) dst(%arg8 : memref<40x256xi32, #tpu.memory_space<vmem>>)
      tpu.yield
    }) : () -> ()
    %barrier3A = arith.constant 0 : index
    tpu.barrier barrier_id(%barrier3A)
    %dma_start3A = arith.constant 0 : i32
    %dma_start3A_5 = arith.constant 0 : i32
    %dma_start3A_6 = tpu.memref_slice %arg7[%dma_start3A, %dma_start3A_5] : memref<40x256xi32, #tpu.memory_space<vmem>> -> memref<1x256xi32, #tpu.memory_space<vmem>>
    %dma_start3A_7 = tpu.memref_squeeze %dma_start3A_6 : memref<1x256xi32, #tpu.memory_space<vmem>> -> memref<256xi32, #tpu.memory_space<vmem>>
    %dma_start3A_8 = arith.constant 0 : i32
    %dma_start3A_9 = arith.constant 0 : i32
    %dma_start3A_10 = tpu.memref_slice %arg4[%dma_start3A_8, %dma_start3A_9] : memref<10000x16xbf16, #tpu.memory_space<hbm>> -> memref<10000x16xbf16, #tpu.memory_space<hbm>>
    tpu.enqueue_indirect_dma source(%dma_start3A_10 : memref<10000x16xbf16, #tpu.memory_space<hbm>>) target(%arg9 : memref<256x16xbf16, #tpu.memory_space<vmem>>) offsets(%dma_start3A_7 : memref<256xi32, #tpu.memory_space<vmem>>) semaphore(%arg12 : memref<!tpu.dma_semaphore, #tpu.memory_space<semaphore_mem>>)
    %scan3A = arith.constant 0 : i32
    %scan3A_11 = arith.constant 20 : i32
    %scan3A_12 = arith.addi %scan3A, %scan3A_11 : i32
    %scan3A_13 = arith.constant 1 : i32
    scf.for %scan3A_20 = %scan3A to %scan3A_12 step %scan3A_13  : i32 {
      %mul3A_21 = arith.constant 1 : i32
      %mul3A_22 = arith.muli %scan3A_20, %mul3A_21 : i32
      %add3A_23 = arith.constant 0 : i32
      %add3A_24 = arith.addi %add3A_23, %mul3A_22 : i32
      %mul3A_25 = arith.constant 2 : i32
      %mul3A_26 = arith.muli %mul3A_25, %add3A_24 : i32
      %mul3A_27 = arith.constant 2 : i32
      %mul3A_28 = arith.muli %mul3A_27, %add3A_24 : i32
      %add3A_29 = arith.constant 1 : i32
      %add3A_30 = arith.addi %mul3A_28, %add3A_29 : i32
      %dma_start3A_31 = arith.constant 0 : i32
      %dma_start3A_32 = tpu.memref_slice %arg7[%add3A_30, %dma_start3A_31] : memref<40x256xi32, #tpu.memory_space<vmem>> -> memref<1x256xi32, #tpu.memory_space<vmem>>
      %dma_start3A_33 = tpu.memref_squeeze %dma_start3A_32 : memref<1x256xi32, #tpu.memory_space<vmem>> -> memref<256xi32, #tpu.memory_space<vmem>>
      %dma_start3A_34 = arith.constant 0 : i32
      %dma_start3A_35 = arith.constant 0 : i32
      %dma_start3A_36 = tpu.memref_slice %arg4[%dma_start3A_34, %dma_start3A_35] : memref<10000x16xbf16, #tpu.memory_space<hbm>> -> memref<10000x16xbf16, #tpu.memory_space<hbm>>
      tpu.enqueue_indirect_dma source(%dma_start3A_36 : memref<10000x16xbf16, #tpu.memory_space<hbm>>) target(%arg10 : memref<256x16xbf16, #tpu.memory_space<vmem>>) offsets(%dma_start3A_33 : memref<256xi32, #tpu.memory_space<vmem>>) semaphore(%arg13 : memref<!tpu.dma_semaphore, #tpu.memory_space<semaphore_mem>>)
      %dma_wait3A = arith.constant 0 : i32
      %dma_wait3A_37 = tpu.memref_slice %arg7[%mul3A_26, %dma_wait3A] : memref<40x256xi32, #tpu.memory_space<vmem>> -> memref<1x256xi32, #tpu.memory_space<vmem>>
      %dma_wait3A_38 = tpu.memref_squeeze %dma_wait3A_37 : memref<1x256xi32, #tpu.memory_space<vmem>> -> memref<256xi32, #tpu.memory_space<vmem>>
      %dma_wait3A_39 = arith.constant 0 : i32
      %dma_wait3A_40 = arith.constant 0 : i32
      %dma_wait3A_41 = tpu.memref_slice %arg4[%dma_wait3A_39, %dma_wait3A_40] : memref<10000x16xbf16, #tpu.memory_space<hbm>> -> memref<10000x16xbf16, #tpu.memory_space<hbm>>
      tpu.wait_indirect_dma semaphore(%arg12 : memref<!tpu.dma_semaphore, #tpu.memory_space<semaphore_mem>>) src(%dma_wait3A_41 : memref<10000x16xbf16, #tpu.memory_space<hbm>>) dst(%arg9 : memref<256x16xbf16, #tpu.memory_space<vmem>>)
      "tpu.region"() ({
        %run_scoped3A = tpu.sem_alloc : memref<!tpu.dma_semaphore, #tpu.memory_space<semaphore_mem>>
        %dma_start3A_50 = arith.constant 0 : i32
        %dma_start3A_51 = tpu.memref_slice %arg8[%mul3A_26, %dma_start3A_50] : memref<40x256xi32, #tpu.memory_space<vmem>> -> memref<1x256xi32, #tpu.memory_space<vmem>>
        %dma_start3A_52 = tpu.memref_squeeze %dma_start3A_51 : memref<1x256xi32, #tpu.memory_space<vmem>> -> memref<256xi32, #tpu.memory_space<vmem>>
        %dma_start3A_53 = arith.constant 0 : i32
        %dma_start3A_54 = arith.constant 0 : i32
        %dma_start3A_55 = tpu.memref_slice %arg11[%dma_start3A_53, %dma_start3A_54] : memref<10112x16xbf16, #tpu.memory_space<vmem_shared>> -> memref<10112x16xbf16, #tpu.memory_space<vmem_shared>>
        tpu.enqueue_indirect_dma source(%arg9 : memref<256x16xbf16, #tpu.memory_space<vmem>>) target(%dma_start3A_55 : memref<10112x16xbf16, #tpu.memory_space<vmem_shared>>) offsets(%dma_start3A_52 : memref<256xi32, #tpu.memory_space<vmem>>) semaphore(%run_scoped3A : memref<!tpu.dma_semaphore, #tpu.memory_space<semaphore_mem>>) {add = true}
        %dma_wait3A_56 = arith.constant 0 : i32
        %dma_wait3A_57 = tpu.memref_slice %arg8[%mul3A_26, %dma_wait3A_56] : memref<40x256xi32, #tpu.memory_space<vmem>> -> memref<1x256xi32, #tpu.memory_space<vmem>>
        %dma_wait3A_58 = tpu.memref_squeeze %dma_wait3A_57 : memref<1x256xi32, #tpu.memory_space<vmem>> -> memref<256xi32, #tpu.memory_space<vmem>>
        %dma_wait3A_59 = arith.constant 0 : i32
        %dma_wait3A_60 = arith.constant 0 : i32
        %dma_wait3A_61 = tpu.memref_slice %arg11[%dma_wait3A_59, %dma_wait3A_60] : memref<10112x16xbf16, #tpu.memory_space<vmem_shared>> -> memref<10112x16xbf16, #tpu.memory_space<vmem_shared>>
        tpu.wait_indirect_dma semaphore(%run_scoped3A : memref<!tpu.dma_semaphore, #tpu.memory_space<semaphore_mem>>) src(%arg9 : memref<256x16xbf16, #tpu.memory_space<vmem>>) dst(%dma_wait3A_61 : memref<10112x16xbf16, #tpu.memory_space<vmem_shared>>)
        tpu.yield
      }) : () -> ()
      %lt3A = arith.constant 19 : i32
      %lt3A_42 = arith.cmpi slt, %add3A_24, %lt3A : i32
      %convert_element_type3A = arith.extui %lt3A_42 : i1 to i32
      %cond3A = arith.constant 0 : i32
      %cond3A_43 = arith.cmpi ne, %convert_element_type3A, %cond3A : i32
      scf.if %cond3A_43 {
        %add3A_50 = arith.constant 2 : i32
        %add3A_51 = arith.addi %mul3A_26, %add3A_50 : i32
        %dma_start3A_52 = arith.constant 0 : i32
        %dma_start3A_53 = tpu.memref_slice %arg7[%add3A_51, %dma_start3A_52] : memref<40x256xi32, #tpu.memory_space<vmem>> -> memref<1x256xi32, #tpu.memory_space<vmem>>
        %dma_start3A_54 = tpu.memref_squeeze %dma_start3A_53 : memref<1x256xi32, #tpu.memory_space<vmem>> -> memref<256xi32, #tpu.memory_space<vmem>>
        %dma_start3A_55 = arith.constant 0 : i32
        %dma_start3A_56 = arith.constant 0 : i32
        %dma_start3A_57 = tpu.memref_slice %arg4[%dma_start3A_55, %dma_start3A_56] : memref<10000x16xbf16, #tpu.memory_space<hbm>> -> memref<10000x16xbf16, #tpu.memory_space<hbm>>
        tpu.enqueue_indirect_dma source(%dma_start3A_57 : memref<10000x16xbf16, #tpu.memory_space<hbm>>) target(%arg9 : memref<256x16xbf16, #tpu.memory_space<vmem>>) offsets(%dma_start3A_54 : memref<256xi32, #tpu.memory_space<vmem>>) semaphore(%arg12 : memref<!tpu.dma_semaphore, #tpu.memory_space<semaphore_mem>>)
      } else {
      }
      %dma_wait3A_44 = arith.constant 0 : i32
      %dma_wait3A_45 = tpu.memref_slice %arg7[%add3A_30, %dma_wait3A_44] : memref<40x256xi32, #tpu.memory_space<vmem>> -> memref<1x256xi32, #tpu.memory_space<vmem>>
      %dma_wait3A_46 = tpu.memref_squeeze %dma_wait3A_45 : memref<1x256xi32, #tpu.memory_space<vmem>> -> memref<256xi32, #tpu.memory_space<vmem>>
      %dma_wait3A_47 = arith.constant 0 : i32
      %dma_wait3A_48 = arith.constant 0 : i32
      %dma_wait3A_49 = tpu.memref_slice %arg4[%dma_wait3A_47, %dma_wait3A_48] : memref<10000x16xbf16, #tpu.memory_space<hbm>> -> memref<10000x16xbf16, #tpu.memory_space<hbm>>
      tpu.wait_indirect_dma semaphore(%arg13 : memref<!tpu.dma_semaphore, #tpu.memory_space<semaphore_mem>>) src(%dma_wait3A_49 : memref<10000x16xbf16, #tpu.memory_space<hbm>>) dst(%arg10 : memref<256x16xbf16, #tpu.memory_space<vmem>>)
      "tpu.region"() ({
        %run_scoped3A = tpu.sem_alloc : memref<!tpu.dma_semaphore, #tpu.memory_space<semaphore_mem>>
        %dma_start3A_50 = arith.constant 0 : i32
        %dma_start3A_51 = tpu.memref_slice %arg8[%add3A_30, %dma_start3A_50] : memref<40x256xi32, #tpu.memory_space<vmem>> -> memref<1x256xi32, #tpu.memory_space<vmem>>
        %dma_start3A_52 = tpu.memref_squeeze %dma_start3A_51 : memref<1x256xi32, #tpu.memory_space<vmem>> -> memref<256xi32, #tpu.memory_space<vmem>>
        %dma_start3A_53 = arith.constant 0 : i32
        %dma_start3A_54 = arith.constant 0 : i32
        %dma_start3A_55 = tpu.memref_slice %arg11[%dma_start3A_53, %dma_start3A_54] : memref<10112x16xbf16, #tpu.memory_space<vmem_shared>> -> memref<10112x16xbf16, #tpu.memory_space<vmem_shared>>
        tpu.enqueue_indirect_dma source(%arg10 : memref<256x16xbf16, #tpu.memory_space<vmem>>) target(%dma_start3A_55 : memref<10112x16xbf16, #tpu.memory_space<vmem_shared>>) offsets(%dma_start3A_52 : memref<256xi32, #tpu.memory_space<vmem>>) semaphore(%run_scoped3A : memref<!tpu.dma_semaphore, #tpu.memory_space<semaphore_mem>>) {add = true}
        %dma_wait3A_56 = arith.constant 0 : i32
        %dma_wait3A_57 = tpu.memref_slice %arg8[%add3A_30, %dma_wait3A_56] : memref<40x256xi32, #tpu.memory_space<vmem>> -> memref<1x256xi32, #tpu.memory_space<vmem>>
        %dma_wait3A_58 = tpu.memref_squeeze %dma_wait3A_57 : memref<1x256xi32, #tpu.memory_space<vmem>> -> memref<256xi32, #tpu.memory_space<vmem>>
        %dma_wait3A_59 = arith.constant 0 : i32
        %dma_wait3A_60 = arith.constant 0 : i32
        %dma_wait3A_61 = tpu.memref_slice %arg11[%dma_wait3A_59, %dma_wait3A_60] : memref<10112x16xbf16, #tpu.memory_space<vmem_shared>> -> memref<10112x16xbf16, #tpu.memory_space<vmem_shared>>
        tpu.wait_indirect_dma semaphore(%run_scoped3A : memref<!tpu.dma_semaphore, #tpu.memory_space<semaphore_mem>>) src(%arg10 : memref<256x16xbf16, #tpu.memory_space<vmem>>) dst(%dma_wait3A_61 : memref<10112x16xbf16, #tpu.memory_space<vmem_shared>>)
        tpu.yield
      }) : () -> ()
    }
    %scan3A_14 = arith.constant 20 : i32
    %barrier3A_15 = arith.constant 0 : index
    tpu.barrier barrier_id(%barrier3A_15)
    %mul3A_16 = arith.constant 632 : i32
    %mul3A_17 = arith.muli %arg1, %mul3A_16 : i32
    %mul3A_18 = arith.constant 632 : i32
    %mul3A_19 = arith.muli %arg1, %mul3A_18 : i32
    "tpu.region"() ({
      %run_scoped3A = tpu.sem_alloc : memref<!tpu.dma_semaphore, #tpu.memory_space<semaphore_mem>>
      %dma_start3A_20 = arith.constant 0 : i32
      %dma_start3A_21 = tpu.memref_slice %arg6[%arg0, %mul3A_19, %dma_start3A_20] : memref<2x10112x16xbf16, #tpu.memory_space<hbm>> -> memref<1x632x16xbf16, #tpu.memory_space<hbm>>
      %dma_start3A_22 = tpu.memref_squeeze %dma_start3A_21 : memref<1x632x16xbf16, #tpu.memory_space<hbm>> -> memref<632x16xbf16, #tpu.memory_space<hbm>>
      %dma_start3A_23 = arith.constant 0 : i32
      %dma_start3A_24 = tpu.memref_slice %arg11[%mul3A_17, %dma_start3A_23] : memref<10112x16xbf16, #tpu.memory_space<vmem_shared>> -> memref<632x16xbf16, #tpu.memory_space<vmem_shared>>
      tpu.enqueue_dma source(%dma_start3A_24 : memref<632x16xbf16, #tpu.memory_space<vmem_shared>>) target(%dma_start3A_22 : memref<632x16xbf16, #tpu.memory_space<hbm>>) target_semaphore(%run_scoped3A : memref<!tpu.dma_semaphore, #tpu.memory_space<semaphore_mem>>)
      %dma_wait3A = arith.constant 0 : i32
      %dma_wait3A_25 = tpu.memref_slice %arg6[%arg0, %mul3A_19, %dma_wait3A] : memref<2x10112x16xbf16, #tpu.memory_space<hbm>> -> memref<1x632x16xbf16, #tpu.memory_space<hbm>>
      %dma_wait3A_26 = tpu.memref_squeeze %dma_wait3A_25 : memref<1x632x16xbf16, #tpu.memory_space<hbm>> -> memref<632x16xbf16, #tpu.memory_space<hbm>>
      %dma_wait3A_27 = arith.constant 0 : i32
      %dma_wait3A_28 = tpu.memref_slice %arg11[%mul3A_17, %dma_wait3A_27] : memref<10112x16xbf16, #tpu.memory_space<vmem_shared>> -> memref<632x16xbf16, #tpu.memory_space<vmem_shared>>
      tpu.wait_dma2 semaphore(%run_scoped3A : memref<!tpu.dma_semaphore, #tpu.memory_space<semaphore_mem>>) src(%dma_wait3A_28 : memref<632x16xbf16, #tpu.memory_space<vmem_shared>>) dst(%dma_wait3A_26 : memref<632x16xbf16, #tpu.memory_space<hbm>>)
      tpu.yield
    }) : () -> ()
    return
  }
}

#map = affine_map<(d0, d1) -> (0, 0, 0)>
#map1 = affine_map<(d0, d1) -> (0, 0)>
module attributes {stable_mosaic.version = 14 : i64} {
  func.func @_sc_agg_wide(%arg0: i32, %arg1: i32, %arg2: memref<16x80x256xi32, #tpu.memory_space<hbm>>, %arg3: memref<16x80x256xi32, #tpu.memory_space<hbm>>, %arg4: memref<2x10000x64xbf16, #tpu.memory_space<hbm>>, %arg5: memref<10112x64xbf16, #tpu.memory_space<hbm>>, %arg6: memref<10112x16xf32, #tpu.memory_space<hbm>>, %arg7: memref<2x10112x64xbf16, #tpu.memory_space<hbm>>, %arg8: memref<2x10112x16xf32, #tpu.memory_space<hbm>>, %arg9: memref<80x256xi32, #tpu.memory_space<vmem>>, %arg10: memref<80x256xi32, #tpu.memory_space<vmem>>, %arg11: memref<256x64xbf16, #tpu.memory_space<vmem>>, %arg12: memref<256x64xbf16, #tpu.memory_space<vmem>>, %arg13: memref<256x16xf32, #tpu.memory_space<vmem>>, %arg14: memref<10112x64xbf16, #tpu.memory_space<vmem_shared>>, %arg15: memref<10112x16xf32, #tpu.memory_space<vmem_shared>>, %arg16: memref<!tpu.dma_semaphore, #tpu.memory_space<semaphore_mem>>, %arg17: memref<!tpu.dma_semaphore, #tpu.memory_space<semaphore_mem>>, %arg18: memref<!tpu.dma_semaphore, #tpu.memory_space<semaphore_mem>>) attributes {dimension_semantics = [#tpu.dimension_semantics<core_parallel>, #tpu.dimension_semantics<subcore_parallel>], iteration_bounds = array<i64: 2, 16>, scalar_prefetch = 0 : i64, scratch_operands = 10 : i64, tpu.core_type = #tpu.core_type<sc_vector_subcore>, window_params = [{transform_indices = #map}, {transform_indices = #map}, {transform_indices = #map}, {transform_indices = #map1}, {transform_indices = #map1}, {transform_indices = #map}, {transform_indices = #map}]} {
    %mul3A = arith.constant 632 : i32
    %mul3A_0 = arith.muli %arg1, %mul3A : i32
    %mul3A_1 = arith.constant 632 : i32
    %mul3A_2 = arith.muli %arg1, %mul3A_1 : i32
    "tpu.region"() ({
      %run_scoped3A = tpu.sem_alloc : memref<!tpu.dma_semaphore, #tpu.memory_space<semaphore_mem>>
      %dma_start3A_40 = arith.constant 0 : i32
      %dma_start3A_41 = tpu.memref_slice %arg14[%mul3A_2, %dma_start3A_40] : memref<10112x64xbf16, #tpu.memory_space<vmem_shared>> -> memref<632x64xbf16, #tpu.memory_space<vmem_shared>>
      %dma_start3A_42 = arith.constant 0 : i32
      %dma_start3A_43 = tpu.memref_slice %arg5[%mul3A_0, %dma_start3A_42] : memref<10112x64xbf16, #tpu.memory_space<hbm>> -> memref<632x64xbf16, #tpu.memory_space<hbm>>
      tpu.enqueue_dma source(%dma_start3A_43 : memref<632x64xbf16, #tpu.memory_space<hbm>>) target(%dma_start3A_41 : memref<632x64xbf16, #tpu.memory_space<vmem_shared>>) target_semaphore(%run_scoped3A : memref<!tpu.dma_semaphore, #tpu.memory_space<semaphore_mem>>)
      %dma_wait3A = arith.constant 0 : i32
      %dma_wait3A_44 = tpu.memref_slice %arg14[%mul3A_2, %dma_wait3A] : memref<10112x64xbf16, #tpu.memory_space<vmem_shared>> -> memref<632x64xbf16, #tpu.memory_space<vmem_shared>>
      %dma_wait3A_45 = arith.constant 0 : i32
      %dma_wait3A_46 = tpu.memref_slice %arg5[%mul3A_0, %dma_wait3A_45] : memref<10112x64xbf16, #tpu.memory_space<hbm>> -> memref<632x64xbf16, #tpu.memory_space<hbm>>
      tpu.wait_dma2 semaphore(%run_scoped3A : memref<!tpu.dma_semaphore, #tpu.memory_space<semaphore_mem>>) src(%dma_wait3A_46 : memref<632x64xbf16, #tpu.memory_space<hbm>>) dst(%dma_wait3A_44 : memref<632x64xbf16, #tpu.memory_space<vmem_shared>>)
      tpu.yield
    }) : () -> ()
    %mul3A_3 = arith.constant 632 : i32
    %mul3A_4 = arith.muli %arg1, %mul3A_3 : i32
    %mul3A_5 = arith.constant 632 : i32
    %mul3A_6 = arith.muli %arg1, %mul3A_5 : i32
    "tpu.region"() ({
      %run_scoped3A = tpu.sem_alloc : memref<!tpu.dma_semaphore, #tpu.memory_space<semaphore_mem>>
      %dma_start3A_40 = arith.constant 0 : i32
      %dma_start3A_41 = tpu.memref_slice %arg15[%mul3A_6, %dma_start3A_40] : memref<10112x16xf32, #tpu.memory_space<vmem_shared>> -> memref<632x16xf32, #tpu.memory_space<vmem_shared>>
      %dma_start3A_42 = arith.constant 0 : i32
      %dma_start3A_43 = tpu.memref_slice %arg6[%mul3A_4, %dma_start3A_42] : memref<10112x16xf32, #tpu.memory_space<hbm>> -> memref<632x16xf32, #tpu.memory_space<hbm>>
      tpu.enqueue_dma source(%dma_start3A_43 : memref<632x16xf32, #tpu.memory_space<hbm>>) target(%dma_start3A_41 : memref<632x16xf32, #tpu.memory_space<vmem_shared>>) target_semaphore(%run_scoped3A : memref<!tpu.dma_semaphore, #tpu.memory_space<semaphore_mem>>)
      %dma_wait3A = arith.constant 0 : i32
      %dma_wait3A_44 = tpu.memref_slice %arg15[%mul3A_6, %dma_wait3A] : memref<10112x16xf32, #tpu.memory_space<vmem_shared>> -> memref<632x16xf32, #tpu.memory_space<vmem_shared>>
      %dma_wait3A_45 = arith.constant 0 : i32
      %dma_wait3A_46 = tpu.memref_slice %arg6[%mul3A_4, %dma_wait3A_45] : memref<10112x16xf32, #tpu.memory_space<hbm>> -> memref<632x16xf32, #tpu.memory_space<hbm>>
      tpu.wait_dma2 semaphore(%run_scoped3A : memref<!tpu.dma_semaphore, #tpu.memory_space<semaphore_mem>>) src(%dma_wait3A_46 : memref<632x16xf32, #tpu.memory_space<hbm>>) dst(%dma_wait3A_44 : memref<632x16xf32, #tpu.memory_space<vmem_shared>>)
      tpu.yield
    }) : () -> ()
    "tpu.region"() ({
      %run_scoped3A = tpu.sem_alloc : memref<!tpu.dma_semaphore, #tpu.memory_space<semaphore_mem>>
      %dma_start3A_40 = arith.constant 0 : i32
      %dma_start3A_41 = arith.constant 0 : i32
      %dma_start3A_42 = tpu.memref_slice %arg2[%arg1, %dma_start3A_40, %dma_start3A_41] : memref<16x80x256xi32, #tpu.memory_space<hbm>> -> memref<1x80x256xi32, #tpu.memory_space<hbm>>
      %dma_start3A_43 = tpu.memref_squeeze %dma_start3A_42 : memref<1x80x256xi32, #tpu.memory_space<hbm>> -> memref<80x256xi32, #tpu.memory_space<hbm>>
      %dma_start3A_44 = arith.constant 0 : i32
      %dma_start3A_45 = arith.constant 0 : i32
      %dma_start3A_46 = tpu.memref_slice %arg2[%arg1, %dma_start3A_44, %dma_start3A_45] : memref<16x80x256xi32, #tpu.memory_space<hbm>> -> memref<1x80x256xi32, #tpu.memory_space<hbm>>
      %dma_start3A_47 = tpu.memref_squeeze %dma_start3A_46 : memref<1x80x256xi32, #tpu.memory_space<hbm>> -> memref<80x256xi32, #tpu.memory_space<hbm>>
      tpu.enqueue_dma source(%dma_start3A_47 : memref<80x256xi32, #tpu.memory_space<hbm>>) target(%arg9 : memref<80x256xi32, #tpu.memory_space<vmem>>) target_semaphore(%run_scoped3A : memref<!tpu.dma_semaphore, #tpu.memory_space<semaphore_mem>>)
      %dma_wait3A = arith.constant 0 : i32
      %dma_wait3A_48 = arith.constant 0 : i32
      %dma_wait3A_49 = tpu.memref_slice %arg2[%arg1, %dma_wait3A, %dma_wait3A_48] : memref<16x80x256xi32, #tpu.memory_space<hbm>> -> memref<1x80x256xi32, #tpu.memory_space<hbm>>
      %dma_wait3A_50 = tpu.memref_squeeze %dma_wait3A_49 : memref<1x80x256xi32, #tpu.memory_space<hbm>> -> memref<80x256xi32, #tpu.memory_space<hbm>>
      %dma_wait3A_51 = arith.constant 0 : i32
      %dma_wait3A_52 = arith.constant 0 : i32
      %dma_wait3A_53 = tpu.memref_slice %arg2[%arg1, %dma_wait3A_51, %dma_wait3A_52] : memref<16x80x256xi32, #tpu.memory_space<hbm>> -> memref<1x80x256xi32, #tpu.memory_space<hbm>>
      %dma_wait3A_54 = tpu.memref_squeeze %dma_wait3A_53 : memref<1x80x256xi32, #tpu.memory_space<hbm>> -> memref<80x256xi32, #tpu.memory_space<hbm>>
      tpu.wait_dma2 semaphore(%run_scoped3A : memref<!tpu.dma_semaphore, #tpu.memory_space<semaphore_mem>>) src(%dma_wait3A_54 : memref<80x256xi32, #tpu.memory_space<hbm>>) dst(%arg9 : memref<80x256xi32, #tpu.memory_space<vmem>>)
      tpu.yield
    }) : () -> ()
    "tpu.region"() ({
      %run_scoped3A = tpu.sem_alloc : memref<!tpu.dma_semaphore, #tpu.memory_space<semaphore_mem>>
      %dma_start3A_40 = arith.constant 0 : i32
      %dma_start3A_41 = arith.constant 0 : i32
      %dma_start3A_42 = tpu.memref_slice %arg3[%arg1, %dma_start3A_40, %dma_start3A_41] : memref<16x80x256xi32, #tpu.memory_space<hbm>> -> memref<1x80x256xi32, #tpu.memory_space<hbm>>
      %dma_start3A_43 = tpu.memref_squeeze %dma_start3A_42 : memref<1x80x256xi32, #tpu.memory_space<hbm>> -> memref<80x256xi32, #tpu.memory_space<hbm>>
      %dma_start3A_44 = arith.constant 0 : i32
      %dma_start3A_45 = arith.constant 0 : i32
      %dma_start3A_46 = tpu.memref_slice %arg3[%arg1, %dma_start3A_44, %dma_start3A_45] : memref<16x80x256xi32, #tpu.memory_space<hbm>> -> memref<1x80x256xi32, #tpu.memory_space<hbm>>
      %dma_start3A_47 = tpu.memref_squeeze %dma_start3A_46 : memref<1x80x256xi32, #tpu.memory_space<hbm>> -> memref<80x256xi32, #tpu.memory_space<hbm>>
      tpu.enqueue_dma source(%dma_start3A_47 : memref<80x256xi32, #tpu.memory_space<hbm>>) target(%arg10 : memref<80x256xi32, #tpu.memory_space<vmem>>) target_semaphore(%run_scoped3A : memref<!tpu.dma_semaphore, #tpu.memory_space<semaphore_mem>>)
      %dma_wait3A = arith.constant 0 : i32
      %dma_wait3A_48 = arith.constant 0 : i32
      %dma_wait3A_49 = tpu.memref_slice %arg3[%arg1, %dma_wait3A, %dma_wait3A_48] : memref<16x80x256xi32, #tpu.memory_space<hbm>> -> memref<1x80x256xi32, #tpu.memory_space<hbm>>
      %dma_wait3A_50 = tpu.memref_squeeze %dma_wait3A_49 : memref<1x80x256xi32, #tpu.memory_space<hbm>> -> memref<80x256xi32, #tpu.memory_space<hbm>>
      %dma_wait3A_51 = arith.constant 0 : i32
      %dma_wait3A_52 = arith.constant 0 : i32
      %dma_wait3A_53 = tpu.memref_slice %arg3[%arg1, %dma_wait3A_51, %dma_wait3A_52] : memref<16x80x256xi32, #tpu.memory_space<hbm>> -> memref<1x80x256xi32, #tpu.memory_space<hbm>>
      %dma_wait3A_54 = tpu.memref_squeeze %dma_wait3A_53 : memref<1x80x256xi32, #tpu.memory_space<hbm>> -> memref<80x256xi32, #tpu.memory_space<hbm>>
      tpu.wait_dma2 semaphore(%run_scoped3A : memref<!tpu.dma_semaphore, #tpu.memory_space<semaphore_mem>>) src(%dma_wait3A_54 : memref<80x256xi32, #tpu.memory_space<hbm>>) dst(%arg10 : memref<80x256xi32, #tpu.memory_space<vmem>>)
      tpu.yield
    }) : () -> ()
    %scan3A = arith.constant 0 : i32
    %scan3A_7 = arith.constant 256 : i32
    %scan3A_8 = arith.addi %scan3A, %scan3A_7 : i32
    %scan3A_9 = arith.constant 1 : i32
    scf.for %scan3A_40 = %scan3A to %scan3A_8 step %scan3A_9  : i32 {
      %mul3A_41 = arith.constant 1 : i32
      %mul3A_42 = arith.muli %scan3A_40, %mul3A_41 : i32
      %add3A = arith.constant 0 : i32
      %add3A_43 = arith.addi %add3A, %mul3A_42 : i32
      %broadcast_in_dim3A = arith.constant 1.000000e+00 : f32
      %broadcast_in_dim3A_44 = vector.broadcast %broadcast_in_dim3A : f32 to vector<16xf32>
      %swap3A = arith.index_cast %add3A_43 : i32 to index
      %swap3A_45 = arith.constant 0 : index
      %swap3A_46 = tpu.vector_load %arg13[%swap3A, %swap3A_45] {strides = array<i32>} : memref<256x16xf32, #tpu.memory_space<vmem>>, vector<1x16xf32>,
      %swap3A_47 = vector.shape_cast %swap3A_46 : vector<1x16xf32> to vector<16xf32>
      %swap3A_48 = vector.shape_cast %broadcast_in_dim3A_44 : vector<16xf32> to vector<1x16xf32>
      tpu.vector_store %arg13[%swap3A, %swap3A_45], %swap3A_48 {strides = array<i32>} : memref<256x16xf32, #tpu.memory_space<vmem>>, vector<1x16xf32>,
    }
    %scan3A_10 = arith.constant 256 : i32
    %barrier3A = arith.constant 0 : index
    tpu.barrier barrier_id(%barrier3A)
    %dma_start3A = arith.constant 0 : i32
    %dma_start3A_11 = arith.constant 0 : i32
    %dma_start3A_12 = tpu.memref_slice %arg9[%dma_start3A, %dma_start3A_11] : memref<80x256xi32, #tpu.memory_space<vmem>> -> memref<1x256xi32, #tpu.memory_space<vmem>>
    %dma_start3A_13 = tpu.memref_squeeze %dma_start3A_12 : memref<1x256xi32, #tpu.memory_space<vmem>> -> memref<256xi32, #tpu.memory_space<vmem>>
    %dma_start3A_14 = arith.constant 0 : i32
    %dma_start3A_15 = arith.constant 0 : i32
    %dma_start3A_16 = tpu.memref_slice %arg4[%arg0, %dma_start3A_14, %dma_start3A_15] : memref<2x10000x64xbf16, #tpu.memory_space<hbm>> -> memref<1x10000x64xbf16, #tpu.memory_space<hbm>>
    %dma_start3A_17 = tpu.memref_squeeze %dma_start3A_16 : memref<1x10000x64xbf16, #tpu.memory_space<hbm>> -> memref<10000x64xbf16, #tpu.memory_space<hbm>>
    %dma_start3A_18 = arith.constant 0 : i32
    %dma_start3A_19 = arith.constant 0 : i32
    %dma_start3A_20 = tpu.memref_slice %dma_start3A_17[%dma_start3A_18, %dma_start3A_19] : memref<10000x64xbf16, #tpu.memory_space<hbm>> -> memref<10000x64xbf16, #tpu.memory_space<hbm>>
    tpu.enqueue_indirect_dma source(%dma_start3A_20 : memref<10000x64xbf16, #tpu.memory_space<hbm>>) target(%arg11 : memref<256x64xbf16, #tpu.memory_space<vmem>>) offsets(%dma_start3A_13 : memref<256xi32, #tpu.memory_space<vmem>>) semaphore(%arg16 : memref<!tpu.dma_semaphore, #tpu.memory_space<semaphore_mem>>)
    %scan3A_21 = arith.constant 0 : i32
    %scan3A_22 = arith.constant 40 : i32
    %scan3A_23 = arith.addi %scan3A_21, %scan3A_22 : i32
    %scan3A_24 = arith.constant 1 : i32
    scf.for %scan3A_40 = %scan3A_21 to %scan3A_23 step %scan3A_24  : i32 {
      %mul3A_41 = arith.constant 1 : i32
      %mul3A_42 = arith.muli %scan3A_40, %mul3A_41 : i32
      %add3A = arith.constant 0 : i32
      %add3A_43 = arith.addi %add3A, %mul3A_42 : i32
      %mul3A_44 = arith.constant 2 : i32
      %mul3A_45 = arith.muli %mul3A_44, %add3A_43 : i32
      %mul3A_46 = arith.constant 2 : i32
      %mul3A_47 = arith.muli %mul3A_46, %add3A_43 : i32
      %add3A_48 = arith.constant 1 : i32
      %add3A_49 = arith.addi %mul3A_47, %add3A_48 : i32
      %dma_start3A_50 = arith.constant 0 : i32
      %dma_start3A_51 = tpu.memref_slice %arg9[%add3A_49, %dma_start3A_50] : memref<80x256xi32, #tpu.memory_space<vmem>> -> memref<1x256xi32, #tpu.memory_space<vmem>>
      %dma_start3A_52 = tpu.memref_squeeze %dma_start3A_51 : memref<1x256xi32, #tpu.memory_space<vmem>> -> memref<256xi32, #tpu.memory_space<vmem>>
      %dma_start3A_53 = arith.constant 0 : i32
      %dma_start3A_54 = arith.constant 0 : i32
      %dma_start3A_55 = tpu.memref_slice %arg4[%arg0, %dma_start3A_53, %dma_start3A_54] : memref<2x10000x64xbf16, #tpu.memory_space<hbm>> -> memref<1x10000x64xbf16, #tpu.memory_space<hbm>>
      %dma_start3A_56 = tpu.memref_squeeze %dma_start3A_55 : memref<1x10000x64xbf16, #tpu.memory_space<hbm>> -> memref<10000x64xbf16, #tpu.memory_space<hbm>>
      %dma_start3A_57 = arith.constant 0 : i32
      %dma_start3A_58 = arith.constant 0 : i32
      %dma_start3A_59 = tpu.memref_slice %dma_start3A_56[%dma_start3A_57, %dma_start3A_58] : memref<10000x64xbf16, #tpu.memory_space<hbm>> -> memref<10000x64xbf16, #tpu.memory_space<hbm>>
      tpu.enqueue_indirect_dma source(%dma_start3A_59 : memref<10000x64xbf16, #tpu.memory_space<hbm>>) target(%arg12 : memref<256x64xbf16, #tpu.memory_space<vmem>>) offsets(%dma_start3A_52 : memref<256xi32, #tpu.memory_space<vmem>>) semaphore(%arg17 : memref<!tpu.dma_semaphore, #tpu.memory_space<semaphore_mem>>)
      %dma_wait3A = arith.constant 0 : i32
      %dma_wait3A_60 = tpu.memref_slice %arg9[%mul3A_45, %dma_wait3A] : memref<80x256xi32, #tpu.memory_space<vmem>> -> memref<1x256xi32, #tpu.memory_space<vmem>>
      %dma_wait3A_61 = tpu.memref_squeeze %dma_wait3A_60 : memref<1x256xi32, #tpu.memory_space<vmem>> -> memref<256xi32, #tpu.memory_space<vmem>>
      %dma_wait3A_62 = arith.constant 0 : i32
      %dma_wait3A_63 = arith.constant 0 : i32
      %dma_wait3A_64 = tpu.memref_slice %arg4[%arg0, %dma_wait3A_62, %dma_wait3A_63] : memref<2x10000x64xbf16, #tpu.memory_space<hbm>> -> memref<1x10000x64xbf16, #tpu.memory_space<hbm>>
      %dma_wait3A_65 = tpu.memref_squeeze %dma_wait3A_64 : memref<1x10000x64xbf16, #tpu.memory_space<hbm>> -> memref<10000x64xbf16, #tpu.memory_space<hbm>>
      %dma_wait3A_66 = arith.constant 0 : i32
      %dma_wait3A_67 = arith.constant 0 : i32
      %dma_wait3A_68 = tpu.memref_slice %dma_wait3A_65[%dma_wait3A_66, %dma_wait3A_67] : memref<10000x64xbf16, #tpu.memory_space<hbm>> -> memref<10000x64xbf16, #tpu.memory_space<hbm>>
      tpu.wait_indirect_dma semaphore(%arg16 : memref<!tpu.dma_semaphore, #tpu.memory_space<semaphore_mem>>) src(%dma_wait3A_68 : memref<10000x64xbf16, #tpu.memory_space<hbm>>) dst(%arg11 : memref<256x64xbf16, #tpu.memory_space<vmem>>)
      "tpu.region"() ({
        %run_scoped3A = tpu.sem_alloc : memref<!tpu.dma_semaphore, #tpu.memory_space<semaphore_mem>>
        %dma_start3A_90 = arith.constant 0 : i32
        %dma_start3A_91 = tpu.memref_slice %arg10[%mul3A_45, %dma_start3A_90] : memref<80x256xi32, #tpu.memory_space<vmem>> -> memref<1x256xi32, #tpu.memory_space<vmem>>
        %dma_start3A_92 = tpu.memref_squeeze %dma_start3A_91 : memref<1x256xi32, #tpu.memory_space<vmem>> -> memref<256xi32, #tpu.memory_space<vmem>>
        %dma_start3A_93 = arith.constant 0 : i32
        %dma_start3A_94 = arith.constant 0 : i32
        %dma_start3A_95 = tpu.memref_slice %arg14[%dma_start3A_93, %dma_start3A_94] : memref<10112x64xbf16, #tpu.memory_space<vmem_shared>> -> memref<10112x64xbf16, #tpu.memory_space<vmem_shared>>
        tpu.enqueue_indirect_dma source(%arg11 : memref<256x64xbf16, #tpu.memory_space<vmem>>) target(%dma_start3A_95 : memref<10112x64xbf16, #tpu.memory_space<vmem_shared>>) offsets(%dma_start3A_92 : memref<256xi32, #tpu.memory_space<vmem>>) semaphore(%run_scoped3A : memref<!tpu.dma_semaphore, #tpu.memory_space<semaphore_mem>>) {add = true}
        %dma_wait3A_96 = arith.constant 0 : i32
        %dma_wait3A_97 = tpu.memref_slice %arg10[%mul3A_45, %dma_wait3A_96] : memref<80x256xi32, #tpu.memory_space<vmem>> -> memref<1x256xi32, #tpu.memory_space<vmem>>
        %dma_wait3A_98 = tpu.memref_squeeze %dma_wait3A_97 : memref<1x256xi32, #tpu.memory_space<vmem>> -> memref<256xi32, #tpu.memory_space<vmem>>
        %dma_wait3A_99 = arith.constant 0 : i32
        %dma_wait3A_100 = arith.constant 0 : i32
        %dma_wait3A_101 = tpu.memref_slice %arg14[%dma_wait3A_99, %dma_wait3A_100] : memref<10112x64xbf16, #tpu.memory_space<vmem_shared>> -> memref<10112x64xbf16, #tpu.memory_space<vmem_shared>>
        tpu.wait_indirect_dma semaphore(%run_scoped3A : memref<!tpu.dma_semaphore, #tpu.memory_space<semaphore_mem>>) src(%arg11 : memref<256x64xbf16, #tpu.memory_space<vmem>>) dst(%dma_wait3A_101 : memref<10112x64xbf16, #tpu.memory_space<vmem_shared>>)
        tpu.yield
      }) : () -> ()
      %eq3A = arith.constant 0 : i32
      %eq3A_69 = arith.cmpi eq, %arg0, %eq3A : i32
      %convert_element_type3A = arith.extui %eq3A_69 : i1 to i32
      %cond3A = arith.constant 0 : i32
      %cond3A_70 = arith.cmpi ne, %convert_element_type3A, %cond3A : i32
      scf.if %cond3A_70 {
        %dma_start3A_90 = arith.constant 0 : i32
        %dma_start3A_91 = tpu.memref_slice %arg10[%mul3A_45, %dma_start3A_90] : memref<80x256xi32, #tpu.memory_space<vmem>> -> memref<1x256xi32, #tpu.memory_space<vmem>>
        %dma_start3A_92 = tpu.memref_squeeze %dma_start3A_91 : memref<1x256xi32, #tpu.memory_space<vmem>> -> memref<256xi32, #tpu.memory_space<vmem>>
        %dma_start3A_93 = arith.constant 0 : i32
        %dma_start3A_94 = arith.constant 0 : i32
        %dma_start3A_95 = tpu.memref_slice %arg15[%dma_start3A_93, %dma_start3A_94] : memref<10112x16xf32, #tpu.memory_space<vmem_shared>> -> memref<10112x16xf32, #tpu.memory_space<vmem_shared>>
        tpu.enqueue_indirect_dma source(%arg13 : memref<256x16xf32, #tpu.memory_space<vmem>>) target(%dma_start3A_95 : memref<10112x16xf32, #tpu.memory_space<vmem_shared>>) offsets(%dma_start3A_92 : memref<256xi32, #tpu.memory_space<vmem>>) semaphore(%arg18 : memref<!tpu.dma_semaphore, #tpu.memory_space<semaphore_mem>>) {add = true}
      } else {
      }
      %lt3A = arith.constant 39 : i32
      %lt3A_71 = arith.cmpi slt, %add3A_43, %lt3A : i32
      %convert_element_type3A_72 = arith.extui %lt3A_71 : i1 to i32
      %cond3A_73 = arith.constant 0 : i32
      %cond3A_74 = arith.cmpi ne, %convert_element_type3A_72, %cond3A_73 : i32
      scf.if %cond3A_74 {
        %add3A_90 = arith.constant 2 : i32
        %add3A_91 = arith.addi %mul3A_45, %add3A_90 : i32
        %dma_start3A_92 = arith.constant 0 : i32
        %dma_start3A_93 = tpu.memref_slice %arg9[%add3A_91, %dma_start3A_92] : memref<80x256xi32, #tpu.memory_space<vmem>> -> memref<1x256xi32, #tpu.memory_space<vmem>>
        %dma_start3A_94 = tpu.memref_squeeze %dma_start3A_93 : memref<1x256xi32, #tpu.memory_space<vmem>> -> memref<256xi32, #tpu.memory_space<vmem>>
        %dma_start3A_95 = arith.constant 0 : i32
        %dma_start3A_96 = arith.constant 0 : i32
        %dma_start3A_97 = tpu.memref_slice %arg4[%arg0, %dma_start3A_95, %dma_start3A_96] : memref<2x10000x64xbf16, #tpu.memory_space<hbm>> -> memref<1x10000x64xbf16, #tpu.memory_space<hbm>>
        %dma_start3A_98 = tpu.memref_squeeze %dma_start3A_97 : memref<1x10000x64xbf16, #tpu.memory_space<hbm>> -> memref<10000x64xbf16, #tpu.memory_space<hbm>>
        %dma_start3A_99 = arith.constant 0 : i32
        %dma_start3A_100 = arith.constant 0 : i32
        %dma_start3A_101 = tpu.memref_slice %dma_start3A_98[%dma_start3A_99, %dma_start3A_100] : memref<10000x64xbf16, #tpu.memory_space<hbm>> -> memref<10000x64xbf16, #tpu.memory_space<hbm>>
        tpu.enqueue_indirect_dma source(%dma_start3A_101 : memref<10000x64xbf16, #tpu.memory_space<hbm>>) target(%arg11 : memref<256x64xbf16, #tpu.memory_space<vmem>>) offsets(%dma_start3A_94 : memref<256xi32, #tpu.memory_space<vmem>>) semaphore(%arg16 : memref<!tpu.dma_semaphore, #tpu.memory_space<semaphore_mem>>)
      } else {
      }
      %dma_wait3A_75 = arith.constant 0 : i32
      %dma_wait3A_76 = tpu.memref_slice %arg9[%add3A_49, %dma_wait3A_75] : memref<80x256xi32, #tpu.memory_space<vmem>> -> memref<1x256xi32, #tpu.memory_space<vmem>>
      %dma_wait3A_77 = tpu.memref_squeeze %dma_wait3A_76 : memref<1x256xi32, #tpu.memory_space<vmem>> -> memref<256xi32, #tpu.memory_space<vmem>>
      %dma_wait3A_78 = arith.constant 0 : i32
      %dma_wait3A_79 = arith.constant 0 : i32
      %dma_wait3A_80 = tpu.memref_slice %arg4[%arg0, %dma_wait3A_78, %dma_wait3A_79] : memref<2x10000x64xbf16, #tpu.memory_space<hbm>> -> memref<1x10000x64xbf16, #tpu.memory_space<hbm>>
      %dma_wait3A_81 = tpu.memref_squeeze %dma_wait3A_80 : memref<1x10000x64xbf16, #tpu.memory_space<hbm>> -> memref<10000x64xbf16, #tpu.memory_space<hbm>>
      %dma_wait3A_82 = arith.constant 0 : i32
      %dma_wait3A_83 = arith.constant 0 : i32
      %dma_wait3A_84 = tpu.memref_slice %dma_wait3A_81[%dma_wait3A_82, %dma_wait3A_83] : memref<10000x64xbf16, #tpu.memory_space<hbm>> -> memref<10000x64xbf16, #tpu.memory_space<hbm>>
      tpu.wait_indirect_dma semaphore(%arg17 : memref<!tpu.dma_semaphore, #tpu.memory_space<semaphore_mem>>) src(%dma_wait3A_84 : memref<10000x64xbf16, #tpu.memory_space<hbm>>) dst(%arg12 : memref<256x64xbf16, #tpu.memory_space<vmem>>)
      "tpu.region"() ({
        %run_scoped3A = tpu.sem_alloc : memref<!tpu.dma_semaphore, #tpu.memory_space<semaphore_mem>>
        %dma_start3A_90 = arith.constant 0 : i32
        %dma_start3A_91 = tpu.memref_slice %arg10[%add3A_49, %dma_start3A_90] : memref<80x256xi32, #tpu.memory_space<vmem>> -> memref<1x256xi32, #tpu.memory_space<vmem>>
        %dma_start3A_92 = tpu.memref_squeeze %dma_start3A_91 : memref<1x256xi32, #tpu.memory_space<vmem>> -> memref<256xi32, #tpu.memory_space<vmem>>
        %dma_start3A_93 = arith.constant 0 : i32
        %dma_start3A_94 = arith.constant 0 : i32
        %dma_start3A_95 = tpu.memref_slice %arg14[%dma_start3A_93, %dma_start3A_94] : memref<10112x64xbf16, #tpu.memory_space<vmem_shared>> -> memref<10112x64xbf16, #tpu.memory_space<vmem_shared>>
        tpu.enqueue_indirect_dma source(%arg12 : memref<256x64xbf16, #tpu.memory_space<vmem>>) target(%dma_start3A_95 : memref<10112x64xbf16, #tpu.memory_space<vmem_shared>>) offsets(%dma_start3A_92 : memref<256xi32, #tpu.memory_space<vmem>>) semaphore(%run_scoped3A : memref<!tpu.dma_semaphore, #tpu.memory_space<semaphore_mem>>) {add = true}
        %dma_wait3A_96 = arith.constant 0 : i32
        %dma_wait3A_97 = tpu.memref_slice %arg10[%add3A_49, %dma_wait3A_96] : memref<80x256xi32, #tpu.memory_space<vmem>> -> memref<1x256xi32, #tpu.memory_space<vmem>>
        %dma_wait3A_98 = tpu.memref_squeeze %dma_wait3A_97 : memref<1x256xi32, #tpu.memory_space<vmem>> -> memref<256xi32, #tpu.memory_space<vmem>>
        %dma_wait3A_99 = arith.constant 0 : i32
        %dma_wait3A_100 = arith.constant 0 : i32
        %dma_wait3A_101 = tpu.memref_slice %arg14[%dma_wait3A_99, %dma_wait3A_100] : memref<10112x64xbf16, #tpu.memory_space<vmem_shared>> -> memref<10112x64xbf16, #tpu.memory_space<vmem_shared>>
        tpu.wait_indirect_dma semaphore(%run_scoped3A : memref<!tpu.dma_semaphore, #tpu.memory_space<semaphore_mem>>) src(%arg12 : memref<256x64xbf16, #tpu.memory_space<vmem>>) dst(%dma_wait3A_101 : memref<10112x64xbf16, #tpu.memory_space<vmem_shared>>)
        tpu.yield
      }) : () -> ()
      %eq3A_85 = arith.constant 1 : i32
      %eq3A_86 = arith.cmpi eq, %arg0, %eq3A_85 : i32
      %convert_element_type3A_87 = arith.extui %eq3A_86 : i1 to i32
      %cond3A_88 = arith.constant 0 : i32
      %cond3A_89 = arith.cmpi ne, %convert_element_type3A_87, %cond3A_88 : i32
      scf.if %cond3A_89 {
        %dma_start3A_90 = arith.constant 0 : i32
        %dma_start3A_91 = tpu.memref_slice %arg10[%add3A_49, %dma_start3A_90] : memref<80x256xi32, #tpu.memory_space<vmem>> -> memref<1x256xi32, #tpu.memory_space<vmem>>
        %dma_start3A_92 = tpu.memref_squeeze %dma_start3A_91 : memref<1x256xi32, #tpu.memory_space<vmem>> -> memref<256xi32, #tpu.memory_space<vmem>>
        %dma_start3A_93 = arith.constant 0 : i32
        %dma_start3A_94 = arith.constant 0 : i32
        %dma_start3A_95 = tpu.memref_slice %arg15[%dma_start3A_93, %dma_start3A_94] : memref<10112x16xf32, #tpu.memory_space<vmem_shared>> -> memref<10112x16xf32, #tpu.memory_space<vmem_shared>>
        tpu.enqueue_indirect_dma source(%arg13 : memref<256x16xf32, #tpu.memory_space<vmem>>) target(%dma_start3A_95 : memref<10112x16xf32, #tpu.memory_space<vmem_shared>>) offsets(%dma_start3A_92 : memref<256xi32, #tpu.memory_space<vmem>>) semaphore(%arg18 : memref<!tpu.dma_semaphore, #tpu.memory_space<semaphore_mem>>) {add = true}
      } else {
      }
    }
    %scan3A_25 = arith.constant 40 : i32
    %scan3A_26 = arith.constant 0 : i32
    %scan3A_27 = arith.constant 40 : i32
    %scan3A_28 = arith.addi %scan3A_26, %scan3A_27 : i32
    %scan3A_29 = arith.constant 1 : i32
    scf.for %scan3A_40 = %scan3A_26 to %scan3A_28 step %scan3A_29  : i32 {
      %mul3A_41 = arith.constant 1 : i32
      %mul3A_42 = arith.muli %scan3A_40, %mul3A_41 : i32
      %add3A = arith.constant 0 : i32
      %add3A_43 = arith.addi %add3A, %mul3A_42 : i32
      %dma_wait3A = arith.constant 0 : i32
      %dma_wait3A_44 = arith.constant 0 : i32
      %dma_wait3A_45 = tpu.memref_slice %arg10[%dma_wait3A, %dma_wait3A_44] : memref<80x256xi32, #tpu.memory_space<vmem>> -> memref<1x256xi32, #tpu.memory_space<vmem>>
      %dma_wait3A_46 = tpu.memref_squeeze %dma_wait3A_45 : memref<1x256xi32, #tpu.memory_space<vmem>> -> memref<256xi32, #tpu.memory_space<vmem>>
      %dma_wait3A_47 = arith.constant 0 : i32
      %dma_wait3A_48 = arith.constant 0 : i32
      %dma_wait3A_49 = tpu.memref_slice %arg15[%dma_wait3A_47, %dma_wait3A_48] : memref<10112x16xf32, #tpu.memory_space<vmem_shared>> -> memref<10112x16xf32, #tpu.memory_space<vmem_shared>>
      tpu.wait_indirect_dma semaphore(%arg18 : memref<!tpu.dma_semaphore, #tpu.memory_space<semaphore_mem>>) src(%arg13 : memref<256x16xf32, #tpu.memory_space<vmem>>) dst(%dma_wait3A_49 : memref<10112x16xf32, #tpu.memory_space<vmem_shared>>)
    }
    %scan3A_30 = arith.constant 40 : i32
    %barrier3A_31 = arith.constant 0 : index
    tpu.barrier barrier_id(%barrier3A_31)
    %mul3A_32 = arith.constant 632 : i32
    %mul3A_33 = arith.muli %arg1, %mul3A_32 : i32
    %mul3A_34 = arith.constant 632 : i32
    %mul3A_35 = arith.muli %arg1, %mul3A_34 : i32
    "tpu.region"() ({
      %run_scoped3A = tpu.sem_alloc : memref<!tpu.dma_semaphore, #tpu.memory_space<semaphore_mem>>
      %dma_start3A_40 = arith.constant 0 : i32
      %dma_start3A_41 = tpu.memref_slice %arg7[%arg0, %mul3A_35, %dma_start3A_40] : memref<2x10112x64xbf16, #tpu.memory_space<hbm>> -> memref<1x632x64xbf16, #tpu.memory_space<hbm>>
      %dma_start3A_42 = tpu.memref_squeeze %dma_start3A_41 : memref<1x632x64xbf16, #tpu.memory_space<hbm>> -> memref<632x64xbf16, #tpu.memory_space<hbm>>
      %dma_start3A_43 = arith.constant 0 : i32
      %dma_start3A_44 = tpu.memref_slice %arg14[%mul3A_33, %dma_start3A_43] : memref<10112x64xbf16, #tpu.memory_space<vmem_shared>> -> memref<632x64xbf16, #tpu.memory_space<vmem_shared>>
      tpu.enqueue_dma source(%dma_start3A_44 : memref<632x64xbf16, #tpu.memory_space<vmem_shared>>) target(%dma_start3A_42 : memref<632x64xbf16, #tpu.memory_space<hbm>>) target_semaphore(%run_scoped3A : memref<!tpu.dma_semaphore, #tpu.memory_space<semaphore_mem>>)
      %dma_wait3A = arith.constant 0 : i32
      %dma_wait3A_45 = tpu.memref_slice %arg7[%arg0, %mul3A_35, %dma_wait3A] : memref<2x10112x64xbf16, #tpu.memory_space<hbm>> -> memref<1x632x64xbf16, #tpu.memory_space<hbm>>
      %dma_wait3A_46 = tpu.memref_squeeze %dma_wait3A_45 : memref<1x632x64xbf16, #tpu.memory_space<hbm>> -> memref<632x64xbf16, #tpu.memory_space<hbm>>
      %dma_wait3A_47 = arith.constant 0 : i32
      %dma_wait3A_48 = tpu.memref_slice %arg14[%mul3A_33, %dma_wait3A_47] : memref<10112x64xbf16, #tpu.memory_space<vmem_shared>> -> memref<632x64xbf16, #tpu.memory_space<vmem_shared>>
      tpu.wait_dma2 semaphore(%run_scoped3A : memref<!tpu.dma_semaphore, #tpu.memory_space<semaphore_mem>>) src(%dma_wait3A_48 : memref<632x64xbf16, #tpu.memory_space<vmem_shared>>) dst(%dma_wait3A_46 : memref<632x64xbf16, #tpu.memory_space<hbm>>)
      tpu.yield
    }) : () -> ()
    %mul3A_36 = arith.constant 632 : i32
    %mul3A_37 = arith.muli %arg1, %mul3A_36 : i32
    %mul3A_38 = arith.constant 632 : i32
    %mul3A_39 = arith.muli %arg1, %mul3A_38 : i32
    "tpu.region"() ({
      %run_scoped3A = tpu.sem_alloc : memref<!tpu.dma_semaphore, #tpu.memory_space<semaphore_mem>>
      %dma_start3A_40 = arith.constant 0 : i32
      %dma_start3A_41 = tpu.memref_slice %arg8[%arg0, %mul3A_39, %dma_start3A_40] : memref<2x10112x16xf32, #tpu.memory_space<hbm>> -> memref<1x632x16xf32, #tpu.memory_space<hbm>>
      %dma_start3A_42 = tpu.memref_squeeze %dma_start3A_41 : memref<1x632x16xf32, #tpu.memory_space<hbm>> -> memref<632x16xf32, #tpu.memory_space<hbm>>
      %dma_start3A_43 = arith.constant 0 : i32
      %dma_start3A_44 = tpu.memref_slice %arg15[%mul3A_37, %dma_start3A_43] : memref<10112x16xf32, #tpu.memory_space<vmem_shared>> -> memref<632x16xf32, #tpu.memory_space<vmem_shared>>
      tpu.enqueue_dma source(%dma_start3A_44 : memref<632x16xf32, #tpu.memory_space<vmem_shared>>) target(%dma_start3A_42 : memref<632x16xf32, #tpu.memory_space<hbm>>) target_semaphore(%run_scoped3A : memref<!tpu.dma_semaphore, #tpu.memory_space<semaphore_mem>>)
      %dma_wait3A = arith.constant 0 : i32
      %dma_wait3A_45 = tpu.memref_slice %arg8[%arg0, %mul3A_39, %dma_wait3A] : memref<2x10112x16xf32, #tpu.memory_space<hbm>> -> memref<1x632x16xf32, #tpu.memory_space<hbm>>
      %dma_wait3A_46 = tpu.memref_squeeze %dma_wait3A_45 : memref<1x632x16xf32, #tpu.memory_space<hbm>> -> memref<632x16xf32, #tpu.memory_space<hbm>>
      %dma_wait3A_47 = arith.constant 0 : i32
      %dma_wait3A_48 = tpu.memref_slice %arg15[%mul3A_37, %dma_wait3A_47] : memref<10112x16xf32, #tpu.memory_space<vmem_shared>> -> memref<632x16xf32, #tpu.memory_space<vmem_shared>>
      tpu.wait_dma2 semaphore(%run_scoped3A : memref<!tpu.dma_semaphore, #tpu.memory_space<semaphore_mem>>) src(%dma_wait3A_48 : memref<632x16xf32, #tpu.memory_space<vmem_shared>>) dst(%dma_wait3A_46 : memref<632x16xf32, #tpu.memory_space<hbm>>)
      tpu.yield
    }) : () -> ()
    return
  }
}

module attributes {stable_mosaic.version = 14 : i64} {
  func.func @body(%arg0: i32, %arg1: memref<1000x128xf32, #tpu.memory_space<vmem>>, %arg2: memref<128x128xf32, #tpu.memory_space<vmem>>, %arg3: memref<128x128xf32, #tpu.memory_space<vmem>>, %arg4: memref<1x128xf32, #tpu.memory_space<vmem>>, %arg5: memref<1x128xf32, #tpu.memory_space<vmem>>, %arg6: memref<2x1000x64xbf16, #tpu.memory_space<vmem>>, %arg7: memref<1000x128xf32, #tpu.memory_space<vmem>>) attributes {dimension_semantics = [#tpu.dimension_semantics<arbitrary>], iteration_bounds = array<i64: 10>, scalar_prefetch = 0 : i64, scratch_operands = 0 : i64, tpu.core_type = #tpu.core_type<tc>, window_params = [{transform_indices = @transform_0, window_bounds = array<i64: 1000, 128>}, {pipeline_mode = #tpu.pipeline_mode<synchronous>, transform_indices = @transform_1, window_bounds = array<i64: 128, 128>}, {pipeline_mode = #tpu.pipeline_mode<synchronous>, transform_indices = @transform_2, window_bounds = array<i64: 128, 128>}, {pipeline_mode = #tpu.pipeline_mode<synchronous>, transform_indices = @transform_3, window_bounds = array<i64: 1, 128>}, {pipeline_mode = #tpu.pipeline_mode<synchronous>, transform_indices = @transform_4, window_bounds = array<i64: 1, 128>}, {transform_indices = @transform_5, window_bounds = array<i64: 2, 1000, 64>}, {transform_indices = @transform_6, window_bounds = array<i64: 1000, 128>}]} {
    %get3A = arith.constant 0 : index
    %get3A_0 = arith.constant 0 : index
    %get3A_1 = vector.load %arg1[%get3A, %get3A_0] : memref<1000x128xf32, #tpu.memory_space<vmem>>, vector<1000x128xf32>
    %get3A_2 = arith.constant 0 : index
    %get3A_3 = arith.constant 0 : index
    %get3A_4 = vector.load %arg2[%get3A_2, %get3A_3] : memref<128x128xf32, #tpu.memory_space<vmem>>, vector<128x128xf32>
    %dot_general3A = arith.constant dense<0.000000e+00> : vector<1000x128xf32>
    %dot_general3A_5 = tpu.matmul %get3A_1, %get3A_4, %dot_general3A {dimension_numbers = #tpu.dot_dimension_numbers<[1], [1], [0], [0], [0, 0, 1, 0], [], []>, transpose_lhs_hint = false} : vector<1000x128xf32>, vector<128x128xf32>, vector<1000x128xf32> -> vector<1000x128xf32>
    %convert_element_type3A = arith.truncf %dot_general3A_5 : vector<1000x128xf32> to vector<1000x128xbf16>
    %slice3A = vector.extract_strided_slice %convert_element_type3A {offsets = [0, 0], sizes = [1000, 64], strides = [1, 1]} : vector<1000x128xbf16> to vector<1000x64xbf16>
    %swap3A = arith.constant 0 : index
    %swap3A_6 = arith.constant 0 : index
    %swap3A_7 = arith.constant 0 : index
    %swap3A_8 = vector.load %arg6[%swap3A, %swap3A_6, %swap3A_7] : memref<2x1000x64xbf16, #tpu.memory_space<vmem>>, vector<1x1000x64xbf16>
    %swap3A_9 = vector.shape_cast %swap3A_8 : vector<1x1000x64xbf16> to vector<1000x64xbf16>
    %swap3A_10 = vector.shape_cast %slice3A : vector<1000x64xbf16> to vector<1x1000x64xbf16>
    tpu.vector_store %arg6[%swap3A, %swap3A_6, %swap3A_7], %swap3A_10 {strides = array<i32>} : memref<2x1000x64xbf16, #tpu.memory_space<vmem>>, vector<1x1000x64xbf16>,
    %slice3A_11 = vector.extract_strided_slice %convert_element_type3A {offsets = [0, 64], sizes = [1000, 64], strides = [1, 1]} : vector<1000x128xbf16> to vector<1000x64xbf16>
    %swap3A_12 = arith.constant 1 : index
    %swap3A_13 = arith.constant 0 : index
    %swap3A_14 = arith.constant 0 : index
    %swap3A_15 = vector.load %arg6[%swap3A_12, %swap3A_13, %swap3A_14] : memref<2x1000x64xbf16, #tpu.memory_space<vmem>>, vector<1x1000x64xbf16>
    %swap3A_16 = vector.shape_cast %swap3A_15 : vector<1x1000x64xbf16> to vector<1000x64xbf16>
    %swap3A_17 = vector.shape_cast %slice3A_11 : vector<1000x64xbf16> to vector<1x1000x64xbf16>
    tpu.vector_store %arg6[%swap3A_12, %swap3A_13, %swap3A_14], %swap3A_17 {strides = array<i32>} : memref<2x1000x64xbf16, #tpu.memory_space<vmem>>, vector<1x1000x64xbf16>,
    %get3A_18 = arith.constant 0 : index
    %get3A_19 = arith.constant 0 : index
    %get3A_20 = vector.load %arg3[%get3A_18, %get3A_19] : memref<128x128xf32, #tpu.memory_space<vmem>>, vector<128x128xf32>
    %dot_general3A_21 = arith.constant dense<0.000000e+00> : vector<1000x128xf32>
    %dot_general3A_22 = tpu.matmul %get3A_1, %get3A_20, %dot_general3A_21 {dimension_numbers = #tpu.dot_dimension_numbers<[1], [1], [0], [0], [0, 0, 1, 0], [], []>, transpose_lhs_hint = false} : vector<1000x128xf32>, vector<128x128xf32>, vector<1000x128xf32> -> vector<1000x128xf32>
    %get3A_23 = arith.constant 0 : index
    %get3A_24 = arith.constant 0 : index
    %get3A_25 = vector.load %arg4[%get3A_23, %get3A_24] : memref<1x128xf32, #tpu.memory_space<vmem>>, vector<1x128xf32>
    %add3A = vector.broadcast %get3A_25 : vector<1x128xf32> to vector<1000x128xf32>
    %add3A_26 = arith.addf %dot_general3A_22, %add3A : vector<1000x128xf32>
    %get3A_27 = arith.constant 0 : index
    %get3A_28 = arith.constant 0 : index
    %get3A_29 = vector.load %arg5[%get3A_27, %get3A_28] : memref<1x128xf32, #tpu.memory_space<vmem>>, vector<1x128xf32>
    %add3A_30 = vector.broadcast %get3A_29 : vector<1x128xf32> to vector<1000x128xf32>
    %add3A_31 = arith.addf %add3A_26, %add3A_30 : vector<1000x128xf32>
    %swap3A_32 = arith.constant 0 : index
    %swap3A_33 = arith.constant 0 : index
    %swap3A_34 = vector.load %arg7[%swap3A_32, %swap3A_33] : memref<1000x128xf32, #tpu.memory_space<vmem>>, vector<1000x128xf32>
    tpu.vector_store %arg7[%swap3A_32, %swap3A_33], %add3A_31 {strides = array<i32>} : memref<1000x128xf32, #tpu.memory_space<vmem>>, vector<1000x128xf32>,
    return
  }
  func.func @transform_0(%arg0: i32) -> (i32, i32) {
    %c0_i32 = arith.constant 0 : i32
    %c0_i32_0 = arith.constant 0 : i32
    return %arg0, %c0_i32 : i32, i32
  }
  func.func @transform_1(%arg0: i32) -> (i32, i32) {
    %c0_i32 = arith.constant 0 : i32
    %c0_i32_0 = arith.constant 0 : i32
    %c0_i32_1 = arith.constant 0 : i32
    return %c0_i32, %c0_i32_0 : i32, i32
  }
  func.func @transform_2(%arg0: i32) -> (i32, i32) {
    %c0_i32 = arith.constant 0 : i32
    %c0_i32_0 = arith.constant 0 : i32
    %c0_i32_1 = arith.constant 0 : i32
    return %c0_i32, %c0_i32_0 : i32, i32
  }
  func.func @transform_3(%arg0: i32) -> (i32, i32) {
    %c0_i32 = arith.constant 0 : i32
    %c0_i32_0 = arith.constant 0 : i32
    %c0_i32_1 = arith.constant 0 : i32
    return %c0_i32, %c0_i32_0 : i32, i32
  }
  func.func @transform_4(%arg0: i32) -> (i32, i32) {
    %c0_i32 = arith.constant 0 : i32
    %c0_i32_0 = arith.constant 0 : i32
    %c0_i32_1 = arith.constant 0 : i32
    return %c0_i32, %c0_i32_0 : i32, i32
  }
  func.func @transform_5(%arg0: i32) -> (i32, i32, i32) {
    %c0_i32 = arith.constant 0 : i32
    %c0_i32_0 = arith.constant 0 : i32
    %c0_i32_1 = arith.constant 0 : i32
    return %c0_i32, %arg0, %c0_i32_0 : i32, i32, i32
  }
  func.func @transform_6(%arg0: i32) -> (i32, i32) {
    %c0_i32 = arith.constant 0 : i32
    %c0_i32_0 = arith.constant 0 : i32
    return %arg0, %c0_i32 : i32, i32
  }
}

module attributes {stable_mosaic.version = 14 : i64} {
  func.func @body(%arg0: i32, %arg1: memref<2x1000x64xbf16, #tpu.memory_space<vmem>>, %arg2: memref<2x1000x16xf32, #tpu.memory_space<vmem>>, %arg3: memref<1000x128xf32, #tpu.memory_space<vmem>>, %arg4: memref<128x128xf32, #tpu.memory_space<vmem>>, %arg5: memref<128x128xf32, #tpu.memory_space<vmem>>, %arg6: memref<2x128xf32, #tpu.memory_space<vmem>>, %arg7: memref<1000x16xf32, #tpu.memory_space<vmem>>, %arg8: memref<1000x16xbf16, #tpu.memory_space<vmem>>) attributes {dimension_semantics = [#tpu.dimension_semantics<arbitrary>], iteration_bounds = array<i64: 10>, scalar_prefetch = 0 : i64, scratch_operands = 0 : i64, tpu.core_type = #tpu.core_type<tc>, window_params = [{transform_indices = @transform_0, window_bounds = array<i64: 2, 1000, 64>}, {transform_indices = @transform_1, window_bounds = array<i64: 2, 1000, 16>}, {transform_indices = @transform_2, window_bounds = array<i64: 1000, 128>}, {pipeline_mode = #tpu.pipeline_mode<synchronous>, transform_indices = @transform_3, window_bounds = array<i64: 128, 128>}, {pipeline_mode = #tpu.pipeline_mode<synchronous>, transform_indices = @transform_4, window_bounds = array<i64: 128, 128>}, {pipeline_mode = #tpu.pipeline_mode<synchronous>, transform_indices = @transform_5, window_bounds = array<i64: 2, 128>}, {transform_indices = @transform_6, window_bounds = array<i64: 1000, 16>}, {transform_indices = @transform_7, window_bounds = array<i64: 1000, 16>}]} {
    %get3A = arith.constant 0 : index
    %get3A_0 = arith.constant 0 : index
    %get3A_1 = arith.constant 0 : index
    %get3A_2 = vector.load %arg1[%get3A, %get3A_0, %get3A_1] : memref<2x1000x64xbf16, #tpu.memory_space<vmem>>, vector<1x1000x64xbf16>
    %get3A_3 = vector.shape_cast %get3A_2 : vector<1x1000x64xbf16> to vector<1000x64xbf16>
    %get3A_4 = arith.constant 1 : index
    %get3A_5 = arith.constant 0 : index
    %get3A_6 = arith.constant 0 : index
    %get3A_7 = vector.load %arg1[%get3A_4, %get3A_5, %get3A_6] : memref<2x1000x64xbf16, #tpu.memory_space<vmem>>, vector<1x1000x64xbf16>
    %get3A_8 = vector.shape_cast %get3A_7 : vector<1x1000x64xbf16> to vector<1000x64xbf16>
    %concatenate3A = tpu.concatenate %get3A_3, %get3A_8 in 1 : vector<1000x64xbf16>, vector<1000x64xbf16> -> vector<1000x128xbf16>
    %convert_element_type3A = arith.extf %concatenate3A : vector<1000x128xbf16> to vector<1000x128xf32>
    %get3A_9 = arith.constant 0 : index
    %get3A_10 = arith.constant 0 : index
    %get3A_11 = arith.constant 0 : index
    %get3A_12 = vector.load %arg2[%get3A_9, %get3A_10, %get3A_11] : memref<2x1000x16xf32, #tpu.memory_space<vmem>>, vector<1x1000x1xf32>
    %get3A_13 = vector.shape_cast %get3A_12 : vector<1x1000x1xf32> to vector<1000x1xf32>
    %get3A_14 = arith.constant 1 : index
    %get3A_15 = arith.constant 0 : index
    %get3A_16 = arith.constant 0 : index
    %get3A_17 = vector.load %arg2[%get3A_14, %get3A_15, %get3A_16] : memref<2x1000x16xf32, #tpu.memory_space<vmem>>, vector<1x1000x1xf32>
    %get3A_18 = vector.shape_cast %get3A_17 : vector<1x1000x1xf32> to vector<1000x1xf32>
    %add3A = arith.addf %get3A_13, %get3A_18 : vector<1000x1xf32>
    %max3A = arith.constant 1.000000e+00 : f32
    %max3A_19 = vector.broadcast %max3A : f32 to vector<1000x1xf32>
    %max3A_20 = arith.maximumf %add3A, %max3A_19 : vector<1000x1xf32>
    %div3A = vector.broadcast %max3A_20 : vector<1000x1xf32> to vector<1000x128xf32>
    %div3A_21 = arith.divf %convert_element_type3A, %div3A : vector<1000x128xf32>
    %get3A_22 = arith.constant 0 : index
    %get3A_23 = arith.constant 0 : index
    %get3A_24 = vector.load %arg3[%get3A_22, %get3A_23] : memref<1000x128xf32, #tpu.memory_space<vmem>>, vector<1000x128xf32>
    %add3A_25 = arith.addf %div3A_21, %get3A_24 : vector<1000x128xf32>
    %max3A_26 = arith.constant 0.000000e+00 : f32
    %max3A_27 = vector.broadcast %max3A_26 : f32 to vector<1000x128xf32>
    %max3A_28 = arith.maximumf %add3A_25, %max3A_27 : vector<1000x128xf32>
    %get3A_29 = arith.constant 0 : index
    %get3A_30 = arith.constant 0 : index
    %get3A_31 = vector.load %arg6[%get3A_29, %get3A_30] : memref<2x128xf32, #tpu.memory_space<vmem>>, vector<2x128xf32>
    %get3A_32 = arith.constant 0 : index
    %get3A_33 = arith.constant 0 : index
    %get3A_34 = vector.load %arg4[%get3A_32, %get3A_33] : memref<128x128xf32, #tpu.memory_space<vmem>>, vector<128x128xf32>
    %dot_general3A = arith.constant dense<0.000000e+00> : vector<2x128xf32>
    %dot_general3A_35 = tpu.matmul %get3A_31, %get3A_34, %dot_general3A {dimension_numbers = #tpu.dot_dimension_numbers<[1], [0], [0], [1], [0, 0, 1, 1], [], []>, transpose_lhs_hint = false} : vector<2x128xf32>, vector<128x128xf32>, vector<2x128xf32> -> vector<2x128xf32>
    %get3A_36 = arith.constant 0 : index
    %get3A_37 = arith.constant 0 : index
    %get3A_38 = vector.load %arg5[%get3A_36, %get3A_37] : memref<128x128xf32, #tpu.memory_space<vmem>>, vector<128x128xf32>
    %dot_general3A_39 = arith.constant dense<0.000000e+00> : vector<2x128xf32>
    %dot_general3A_40 = tpu.matmul %get3A_31, %get3A_38, %dot_general3A_39 {dimension_numbers = #tpu.dot_dimension_numbers<[1], [0], [0], [1], [0, 0, 1, 1], [], []>, transpose_lhs_hint = false} : vector<2x128xf32>, vector<128x128xf32>, vector<2x128xf32> -> vector<2x128xf32>
    %broadcast_in_dim3A = arith.constant 0.000000e+00 : f32
    %broadcast_in_dim3A_41 = vector.broadcast %broadcast_in_dim3A : f32 to vector<12x128xf32>
    %concatenate3A_42 = tpu.concatenate %dot_general3A_35, %dot_general3A_40, %broadcast_in_dim3A_41 in 0 : vector<2x128xf32>, vector<2x128xf32>, vector<12x128xf32> -> vector<16x128xf32>
    %dot_general3A_43 = arith.constant dense<0.000000e+00> : vector<1000x16xf32>
    %dot_general3A_44 = tpu.matmul %max3A_28, %concatenate3A_42, %dot_general3A_43 {dimension_numbers = #tpu.dot_dimension_numbers<[1], [1], [0], [0], [0, 0, 1, 0], [], []>, transpose_lhs_hint = false} : vector<1000x128xf32>, vector<16x128xf32>, vector<1000x16xf32> -> vector<1000x16xf32>
    %swap3A = arith.constant 0 : index
    %swap3A_45 = arith.constant 0 : index
    %swap3A_46 = vector.load %arg7[%swap3A, %swap3A_45] : memref<1000x16xf32, #tpu.memory_space<vmem>>, vector<1000x16xf32>
    tpu.vector_store %arg7[%swap3A, %swap3A_45], %dot_general3A_44 {strides = array<i32>} : memref<1000x16xf32, #tpu.memory_space<vmem>>, vector<1000x16xf32>,
    %convert_element_type3A_47 = arith.truncf %dot_general3A_44 : vector<1000x16xf32> to vector<1000x16xbf16>
    %swap3A_48 = arith.constant 0 : index
    %swap3A_49 = arith.constant 0 : index
    %swap3A_50 = vector.load %arg8[%swap3A_48, %swap3A_49] : memref<1000x16xbf16, #tpu.memory_space<vmem>>, vector<1000x16xbf16>
    tpu.vector_store %arg8[%swap3A_48, %swap3A_49], %convert_element_type3A_47 {strides = array<i32>} : memref<1000x16xbf16, #tpu.memory_space<vmem>>, vector<1000x16xbf16>,
    return
  }
  func.func @transform_0(%arg0: i32) -> (i32, i32, i32) {
    %c0_i32 = arith.constant 0 : i32
    %c0_i32_0 = arith.constant 0 : i32
    %c0_i32_1 = arith.constant 0 : i32
    return %c0_i32, %arg0, %c0_i32_0 : i32, i32, i32
  }
  func.func @transform_1(%arg0: i32) -> (i32, i32, i32) {
    %c0_i32 = arith.constant 0 : i32
    %c0_i32_0 = arith.constant 0 : i32
    %c0_i32_1 = arith.constant 0 : i32
    return %c0_i32, %arg0, %c0_i32_0 : i32, i32, i32
  }
  func.func @transform_2(%arg0: i32) -> (i32, i32) {
    %c0_i32 = arith.constant 0 : i32
    %c0_i32_0 = arith.constant 0 : i32
    return %arg0, %c0_i32 : i32, i32
  }
  func.func @transform_3(%arg0: i32) -> (i32, i32) {
    %c0_i32 = arith.constant 0 : i32
    %c0_i32_0 = arith.constant 0 : i32
    %c0_i32_1 = arith.constant 0 : i32
    return %c0_i32, %c0_i32_0 : i32, i32
  }
  func.func @transform_4(%arg0: i32) -> (i32, i32) {
    %c0_i32 = arith.constant 0 : i32
    %c0_i32_0 = arith.constant 0 : i32
    %c0_i32_1 = arith.constant 0 : i32
    return %c0_i32, %c0_i32_0 : i32, i32
  }
  func.func @transform_5(%arg0: i32) -> (i32, i32) {
    %c0_i32 = arith.constant 0 : i32
    %c0_i32_0 = arith.constant 0 : i32
    %c0_i32_1 = arith.constant 0 : i32
    return %c0_i32, %c0_i32_0 : i32, i32
  }
  func.func @transform_6(%arg0: i32) -> (i32, i32) {
    %c0_i32 = arith.constant 0 : i32
    %c0_i32_0 = arith.constant 0 : i32
    return %arg0, %c0_i32 : i32, i32
  }
  func.func @transform_7(%arg0: i32) -> (i32, i32) {
    %c0_i32 = arith.constant 0 : i32
    %c0_i32_0 = arith.constant 0 : i32
    return %arg0, %c0_i32 : i32, i32
  }
}

module attributes {stable_mosaic.version = 14 : i64} {
  func.func @body(%arg0: i32, %arg1: memref<2x1000x16xbf16, #tpu.memory_space<vmem>>, %arg2: memref<2x1000x16xf32, #tpu.memory_space<vmem>>, %arg3: memref<1000x16xf32, #tpu.memory_space<vmem>>, %arg4: memref<2x128xf32, #tpu.memory_space<vmem>>, %arg5: memref<1x128xf32, #tpu.memory_space<vmem>>, %arg6: memref<1x128xf32, #tpu.memory_space<vmem>>, %arg7: memref<1x2xf32, #tpu.memory_space<vmem>>, %arg8: memref<1000x2xf32, #tpu.memory_space<vmem>>) attributes {dimension_semantics = [#tpu.dimension_semantics<arbitrary>], iteration_bounds = array<i64: 10>, scalar_prefetch = 0 : i64, scratch_operands = 0 : i64, tpu.core_type = #tpu.core_type<tc>, window_params = [{transform_indices = @transform_0, window_bounds = array<i64: 2, 1000, 16>}, {transform_indices = @transform_1, window_bounds = array<i64: 2, 1000, 16>}, {transform_indices = @transform_2, window_bounds = array<i64: 1000, 16>}, {pipeline_mode = #tpu.pipeline_mode<synchronous>, transform_indices = @transform_3, window_bounds = array<i64: 2, 128>}, {pipeline_mode = #tpu.pipeline_mode<synchronous>, transform_indices = @transform_4, window_bounds = array<i64: 1, 128>}, {pipeline_mode = #tpu.pipeline_mode<synchronous>, transform_indices = @transform_5, window_bounds = array<i64: 1, 128>}, {pipeline_mode = #tpu.pipeline_mode<synchronous>, transform_indices = @transform_6, window_bounds = array<i64: 1, 2>}, {transform_indices = @transform_7, window_bounds = array<i64: 1000, 2>}]} {
    %get3A = arith.constant 0 : index
    %get3A_0 = arith.constant 0 : index
    %get3A_1 = arith.constant 0 : index
    %get3A_2 = vector.load %arg1[%get3A, %get3A_0, %get3A_1] : memref<2x1000x16xbf16, #tpu.memory_space<vmem>>, vector<1x1000x16xbf16>
    %get3A_3 = vector.shape_cast %get3A_2 : vector<1x1000x16xbf16> to vector<1000x16xbf16>
    %convert_element_type3A = arith.extf %get3A_3 : vector<1000x16xbf16> to vector<1000x16xf32>
    %get3A_4 = arith.constant 1 : index
    %get3A_5 = arith.constant 0 : index
    %get3A_6 = arith.constant 0 : index
    %get3A_7 = vector.load %arg1[%get3A_4, %get3A_5, %get3A_6] : memref<2x1000x16xbf16, #tpu.memory_space<vmem>>, vector<1x1000x16xbf16>
    %get3A_8 = vector.shape_cast %get3A_7 : vector<1x1000x16xbf16> to vector<1000x16xbf16>
    %convert_element_type3A_9 = arith.extf %get3A_8 : vector<1000x16xbf16> to vector<1000x16xf32>
    %add3A = arith.addf %convert_element_type3A, %convert_element_type3A_9 : vector<1000x16xf32>
    %get3A_10 = arith.constant 0 : index
    %get3A_11 = arith.constant 0 : index
    %get3A_12 = arith.constant 0 : index
    %get3A_13 = vector.load %arg2[%get3A_10, %get3A_11, %get3A_12] : memref<2x1000x16xf32, #tpu.memory_space<vmem>>, vector<1x1000x1xf32>
    %get3A_14 = vector.shape_cast %get3A_13 : vector<1x1000x1xf32> to vector<1000x1xf32>
    %get3A_15 = arith.constant 1 : index
    %get3A_16 = arith.constant 0 : index
    %get3A_17 = arith.constant 0 : index
    %get3A_18 = vector.load %arg2[%get3A_15, %get3A_16, %get3A_17] : memref<2x1000x16xf32, #tpu.memory_space<vmem>>, vector<1x1000x1xf32>
    %get3A_19 = vector.shape_cast %get3A_18 : vector<1x1000x1xf32> to vector<1000x1xf32>
    %add3A_20 = arith.addf %get3A_14, %get3A_19 : vector<1000x1xf32>
    %max3A = arith.constant 1.000000e+00 : f32
    %max3A_21 = vector.broadcast %max3A : f32 to vector<1000x1xf32>
    %max3A_22 = arith.maximumf %add3A_20, %max3A_21 : vector<1000x1xf32>
    %slice3A = vector.extract_strided_slice %add3A {offsets = [0, 0], sizes = [1000, 2], strides = [1, 1]} : vector<1000x16xf32> to vector<1000x2xf32>
    %div3A = vector.broadcast %max3A_22 : vector<1000x1xf32> to vector<1000x2xf32>
    %div3A_23 = arith.divf %slice3A, %div3A : vector<1000x2xf32>
    %get3A_24 = arith.constant 0 : index
    %get3A_25 = arith.constant 0 : index
    %get3A_26 = vector.load %arg5[%get3A_24, %get3A_25] : memref<1x128xf32, #tpu.memory_space<vmem>>, vector<1x128xf32>
    %get3A_27 = arith.constant 0 : index
    %get3A_28 = arith.constant 0 : index
    %get3A_29 = vector.load %arg6[%get3A_27, %get3A_28] : memref<1x128xf32, #tpu.memory_space<vmem>>, vector<1x128xf32>
    %add3A_30 = arith.addf %get3A_26, %get3A_29 : vector<1x128xf32>
    %get3A_31 = arith.constant 0 : index
    %get3A_32 = arith.constant 0 : index
    %get3A_33 = vector.load %arg4[%get3A_31, %get3A_32] : memref<2x128xf32, #tpu.memory_space<vmem>>, vector<2x128xf32>
    %dot_general3A = arith.constant dense<0.000000e+00> : vector<1x2xf32>
    %dot_general3A_34 = tpu.matmul %add3A_30, %get3A_33, %dot_general3A {dimension_numbers = #tpu.dot_dimension_numbers<[1], [1], [0], [0], [0, 0, 1, 0], [], []>, transpose_lhs_hint = false} : vector<1x128xf32>, vector<2x128xf32>, vector<1x2xf32> -> vector<1x2xf32>
    %get3A_35 = arith.constant 0 : index
    %get3A_36 = arith.constant 2 : index
    %get3A_37 = vector.load %arg3[%get3A_35, %get3A_36] : memref<1000x16xf32, #tpu.memory_space<vmem>>, vector<1000x2xf32>
    %add3A_38 = arith.addf %div3A_23, %get3A_37 : vector<1000x2xf32>
    %add3A_39 = vector.broadcast %dot_general3A_34 : vector<1x2xf32> to vector<1000x2xf32>
    %add3A_40 = arith.addf %add3A_38, %add3A_39 : vector<1000x2xf32>
    %get3A_41 = arith.constant 0 : index
    %get3A_42 = arith.constant 0 : index
    %get3A_43 = vector.load %arg7[%get3A_41, %get3A_42] : memref<1x2xf32, #tpu.memory_space<vmem>>, vector<1x2xf32>
    %add3A_44 = vector.broadcast %get3A_43 : vector<1x2xf32> to vector<1000x2xf32>
    %add3A_45 = arith.addf %add3A_40, %add3A_44 : vector<1000x2xf32>
    %swap3A = arith.constant 0 : index
    %swap3A_46 = arith.constant 0 : index
    %swap3A_47 = vector.load %arg8[%swap3A, %swap3A_46] : memref<1000x2xf32, #tpu.memory_space<vmem>>, vector<1000x2xf32>
    tpu.vector_store %arg8[%swap3A, %swap3A_46], %add3A_45 {strides = array<i32>} : memref<1000x2xf32, #tpu.memory_space<vmem>>, vector<1000x2xf32>,
    return
  }
  func.func @transform_0(%arg0: i32) -> (i32, i32, i32) {
    %c0_i32 = arith.constant 0 : i32
    %c0_i32_0 = arith.constant 0 : i32
    %c0_i32_1 = arith.constant 0 : i32
    return %c0_i32, %arg0, %c0_i32_0 : i32, i32, i32
  }
  func.func @transform_1(%arg0: i32) -> (i32, i32, i32) {
    %c0_i32 = arith.constant 0 : i32
    %c0_i32_0 = arith.constant 0 : i32
    %c0_i32_1 = arith.constant 0 : i32
    return %c0_i32, %arg0, %c0_i32_0 : i32, i32, i32
  }
  func.func @transform_2(%arg0: i32) -> (i32, i32) {
    %c0_i32 = arith.constant 0 : i32
    %c0_i32_0 = arith.constant 0 : i32
    return %arg0, %c0_i32 : i32, i32
  }
  func.func @transform_3(%arg0: i32) -> (i32, i32) {
    %c0_i32 = arith.constant 0 : i32
    %c0_i32_0 = arith.constant 0 : i32
    %c0_i32_1 = arith.constant 0 : i32
    return %c0_i32, %c0_i32_0 : i32, i32
  }
  func.func @transform_4(%arg0: i32) -> (i32, i32) {
    %c0_i32 = arith.constant 0 : i32
    %c0_i32_0 = arith.constant 0 : i32
    %c0_i32_1 = arith.constant 0 : i32
    return %c0_i32, %c0_i32_0 : i32, i32
  }
  func.func @transform_5(%arg0: i32) -> (i32, i32) {
    %c0_i32 = arith.constant 0 : i32
    %c0_i32_0 = arith.constant 0 : i32
    %c0_i32_1 = arith.constant 0 : i32
    return %c0_i32, %c0_i32_0 : i32, i32
  }
  func.func @transform_6(%arg0: i32) -> (i32, i32) {
    %c0_i32 = arith.constant 0 : i32
    %c0_i32_0 = arith.constant 0 : i32
    %c0_i32_1 = arith.constant 0 : i32
    return %c0_i32, %c0_i32_0 : i32, i32
  }
  func.func @transform_7(%arg0: i32) -> (i32, i32) {
    %c0_i32 = arith.constant 0 : i32
    %c0_i32_0 = arith.constant 0 : i32
    return %arg0, %c0_i32 : i32, i32
  }
}

</mosaic_0001>

<sc_bundles>
// kernel: kernel.10.cloned.1.call-start
scs
__scs_entry_jumppad:
0x0: {  	(pc) =	sbr.rel $0x88, $3  }
0x1: {  	(tag) =	ssettag $0x0;
	lr =	simm.s32 $0x1  }
0x2: {  	[smem:$0x3F95] =	sst lr;
	_ =	strace $0xD0000000  }
0x3: {  	_ = 	snop  }
0x4: {  	_ = 	snop  }
0x5: {  	_ = 	snop  }
0x6: {  	_ = 	snop  }
0x7: {  	_ = 	snop  }
__scs_overlays_trampoline_lowered:
0x8: {  	[smem:$0x3FA4] =	sst s0  }
0x9: {  	[smem:$0x3FA5] =	sst s1  }
0xa: {  	[smem:$0x3FA6] =	sst s2  }
0xb: {  	[smem:$0x3FA7] =	sst s3  }
0xc: {  	[smem:$0x3FA8] =	sst s4  }
0xd: {  	[smem:$0x3FA9] =	sst s5  }
0xe: {  	[smem:$0x3FAA] =	sst s6  }
0xf: {  	[smem:$0x3FAB] =	sst s7  }
0x10: {  	[smem:$0x3FAC] =	sst s8  }
0x11: {  	[smem:$0x3FAD] =	sst s9;
	s0 =	simm.s32 @!p0 $0x0  }
0x12: {  	s1 =	sld [smem:$0x3F93];
	s0 =	simm.s32 @p0 $0x1  }
0x13: {  	[smem:$0x3FAE] =	sst s0;
	s0 =	simm.s32 @!p1 $0x0  }
0x14: {  	s2 =	sld [smem:$0x3F92];
	s0 =	simm.s32 @p1 $0x1  }
0x15: {  	[smem:$0x3FAF] =	sst s0;
	s0 =	simm.s32 @!p2 $0x0  }
0x16: {  	s3 =	sld [smem:$0x3FDB];
	s0 =	simm.s32 @p2 $0x1  }
0x17: {  	s4 =	simm.s32 $0x1BF5;
	[smem:$0x3FB1] =	sst s0  }
0x18: {  	s0 =	sld [smem:$0x3F94];
	_ =	swait.ge [sflag:s4], $0x0  }
0x19: {  	s7 =	sld [smem:$0x3F95]  }
0x1a: {  	s8 =	sadd.s32 $0xFFFFE003, lr  }
0x1b: {  	s9 =	sadd.s32 $0xFFFFFEF7, lr;
	s5 =	simm.s32 $0xFFFFFFFF;
	p2 =	slt.u32 s8, $0xFFFFF086  }
0x1c: {  	p1 =	slt.u32 s9, $0xF7A;
	s5 =	simm.s32 @!p2 $0x0  }
0x1d: {  	s5 =	simm.s32 @p1 $0x1;
	p0 =	seq.s32 s7, s2  }
0x1e: {  	s7 =	smul.u32 @!p0 $0xF7A, s2;
	p2 =	seq.s32 @!p0 s5, $0x0  }
0x1f: {  	s9 =	smul.u32 $0xF7A, s1;
	s8 =	simm.s32 @!p0 $0x1BF5;
	p2 =	por !p2, p0  }
0x20: {  	[sflag:s8] =	ssyncset.s32 @!p0 $0xFFFFF086;
	s6 =	sadd.s32 @!p0 s3, s7;
	s7 =	simm.s32 @!p0 $0x108  }
0x21: {  	s3 =	sadd.s32 s3, s9;
	s6 =	sadd.s32 @!p0 $0x88, s6;
	s7 =	simm.s32 @p2 $0x1082  }
0x22: {  	[simem:s7], [sflag:s8] =	dma.local @!p0 [hbm:s6], $0xF7A  }
0x23: {  	s9 =	sor.u32 $0xD0000000, s2;
	s6 =	simm.s32 $0x108;
	_ =	swait.ge @!p0 [sflag:s8], $0x0  }
0x24: {  	s3 =	sadd.s32 $0x88, s3;
	s6 =	simm.s32 @!p1 $0x1082;
	[sflag:s4] =	ssyncset.s32 $0xFFFFF086  }
0x25: {  	[simem:s6], [sflag:s4] =	dma.local [hbm:s3], $0xF7A  }
0x26: {  	[smem:$0x3F95] =	sst s1;
	(tag) =	ssettag s2;
	_ =	strace s9  }
0x27: {  	s1 =	sld [smem:$0x3FA5]  }
0x28: {  	s2 =	sld [smem:$0x3FA6]  }
0x29: {  	s4 =	sld [smem:$0x3FA8]  }
0x2a: {  	p0 =	seq.s32 s5, $0x0;
	s5 =	sld [smem:$0x3FA9]  }
0x2b: {  	s6 =	sld [smem:$0x3FAA]  }
0x2c: {  	s7 =	sld [smem:$0x3FAB]  }
0x2d: {  	s3 =	simm.s32 $0x108;
	s8 =	sld [smem:$0x3FAC]  }
0x2e: {  	s3 =	simm.s32 @!p0 $0x1082;
	s9 =	sld [smem:$0x3FAD]  }
0x2f: {  	lr =	sadd.s32 s0, s3;
	s0 =	sld [smem:$0x3FA4]  }
0x30: {  	s3 =	sld [smem:$0x3FA7]  }
0x31: {  	[smem:$0x3FB0] =	sst s10  }
0x32: {  	s10 =	sld [smem:$0x3FAE];
	_ =	sdelay $0x3  }
0x33: {  	p0 =	seq.s32 s10, $0x1;
	s10 =	sld [smem:$0x3FB0];
	_ =	sdelay $0x3  }
0x34: {  	[smem:$0x3FB0] =	sst s10  }
0x35: {  	s10 =	sld [smem:$0x3FAF];
	_ =	sdelay $0x3  }
0x36: {  	p1 =	seq.s32 s10, $0x1;
	s10 =	sld [smem:$0x3FB0];
	_ =	sdelay $0x3  }
0x37: {  	[smem:$0x3FB0] =	sst s10  }
0x38: {  	s10 =	sld [smem:$0x3FB1]  }
0x39: {  	_ = 	snop;
	(pc) =	sbr.ind lr, $3  }
0x3a: {  	_ = 	snop  }
0x3b: {  	_ = 	snop  }
0x3c: {  	p2 =	seq.s32 s10, $0x1;
	s10 =	sld [smem:$0x3FB0]  }
0x3d: {  	_ =	shalt  }
0x3e: {  	_ =	shalt  }
0x3f: {  	_ =	shalt  }
0x40: {  	_ =	shalt  }
0x41: {  	_ =	shalt  }
0x42: {  	_ =	shalt  }
0x43: {  	_ =	shalt  }
0x44: {  	_ =	shalt  }
0x45: {  	_ =	shalt  }
0x46: {  	_ =	shalt  }
0x47: {  	_ =	shalt  }
0x48: {  	_ =	shalt  }
0x49: {  	_ =	shalt  }
0x4a: {  	_ =	shalt  }
0x4b: {  	_ =	shalt  }
0x4c: {  	_ =	shalt  }
0x4d: {  	_ =	shalt  }
0x4e: {  	_ =	shalt  }
0x4f: {  	_ =	shalt  }
0x50: {  	_ =	shalt  }
0x51: {  	_ =	shalt  }
0x52: {  	_ =	shalt  }
0x53: {  	_ =	shalt  }
0x54: {  	_ =	shalt  }
0x55: {  	_ =	shalt  }
0x56: {  	_ =	shalt  }
0x57: {  	_ =	shalt  }
0x58: {  	_ =	shalt  }
0x59: {  	_ =	shalt  }
0x5a: {  	_ =	shalt  }
0x5b: {  	_ =	shalt  }
0x5c: {  	_ =	shalt  }
0x5d: {  	_ =	shalt  }
0x5e: {  	_ =	shalt  }
0x5f: {  	_ =	shalt  }
0x60: {  	_ =	shalt  }
0x61: {  	_ =	shalt  }
0x62: {  	_ =	shalt  }
0x63: {  	_ =	shalt  }
0x64: {  	_ =	shalt  }
0x65: {  	_ =	shalt  }
0x66: {  	_ =	shalt  }
0x67: {  	_ =	shalt  }
0x68: {  	_ =	shalt  }
0x69: {  	_ =	shalt  }
0x6a: {  	_ =	shalt  }
0x6b: {  	_ =	shalt  }
0x6c: {  	_ =	shalt  }
0x6d: {  	_ =	shalt  }
0x6e: {  	_ =	shalt  }
0x6f: {  	_ =	shalt  }
0x70: {  	_ =	shalt  }
0x71: {  	_ =	shalt  }
0x72: {  	_ =	shalt  }
0x73: {  	_ =	shalt  }
0x74: {  	_ =	shalt  }
0x75: {  	_ =	shalt  }
0x76: {  	_ =	shalt  }
0x77: {  	_ =	shalt  }
0x78: {  	_ =	shalt  }
0x79: {  	_ =	shalt  }
0x7a: {  	_ =	shalt  }
0x7b: {  	_ =	shalt  }
0x7c: {  	_ =	shalt  }
0x7d: {  	_ =	shalt  }
0x7e: {  	_ =	shalt  }
0x7f: {  	_ =	shalt  }
0x80: {  	_ =	shalt  }
0x81: {  	_ =	shalt  }
0x82: {  	_ =	shalt  }
0x83: {  	_ =	shalt  }
0x84: {  	_ =	shalt  }
0x85: {  	_ =	shalt  }
0x86: {  	_ =	shalt  }
0x87: {  	_ =	shalt  }
.Lfunc_end0:
.L_simem_size_0:
called_computation.1_lowered:
.L_overlay_start_0:
0x88: {  	s2 =	sld [smem:$0x3FD9]  }
0x89: {  	s3 =	sld [smem:$0x3FFE];
	_ =	sdelay $0x1  }
0x8a: {  	s1 =	srdreg.scid  }
0x8b: {  	s0 =	sand.u32 $0x1, s1  }
0x8c: {  	s16 =	sshll.u32 s0, $0xA;
	s2 =	sadd.s32 s3, s2  }
0x8d: {  	s2 =	sadd.s32 s2, s16  }
0x8e: {  	[smem:$0x3FBC] =	sst s2  }
0x8f: {  	_ = 	snop  }
0x90: {  	(tm) =	ssettm $0x1  }
0x91: {  	s17 =	sld [smem:$0x3FFB];
	_ =	sdelay $0x3  }
0x92: {  	_ =	strace s17  }
0x93: {  	s2 =	sld [smem:$0x3FFC];
	_ =	sdelay $0x3  }
0x94: {  	_ =	strace s2  }
0x95: {  	s2 =	sld [smem:$0x3FFD];
	_ =	sdelay $0x3  }
0x96: {  	_ =	strace s2  }
0x97: {  	_ =	strace $0x8FFFFFFF  }
0x98: {  	s18 =	sld [smem:$0x3FDB];
	_ =	sdelay $0x1  }
0x99: {  	s19 =	simm.s32 $_scs_section_size  }
0x9a: {  	s4 =	simm.s32 $_size__tile_overlayer_lowered;
	s5 =	simm.s32 $_tile_overlayer_lowered  }
0x9b: {  	s22 =	simm.s32 $0x1BFF;
	s21 =	sshll.u32 s5, $0x1;
	s2 =	sadd.s32 s19, s18  }
0x9c: {  	s6 =	simm.s32 $0x0;
	s20 =	sshll.u32 s4, $0x1;
	s4 =	sadd.s32 s21, s2  }
0x9d: {  	[timem:s6], [sflag:s22] =	dma.local [hbm:s4], s20  }
0x9e: {  	_ =	swait.ge [sflag:s22], s20  }
0x9f: {  	s3 =	ssub.s32 $0x0, s20;
	[sflag:s22] =	ssyncset.done $0x0  }
0xa0: {  	[sflag:s22] =	ssyncadd.s32 s3;
	_ =	sdelay $0x1  }
0xa1: {  	s23 =	simm.s32 $0x1B8B  }
0xa2: {  	_ =	swait.ge [sflag:s23], $0x1  }
0xa3: {  	[sflag:s23] =	ssyncset.done $0x0  }
0xa4: {  	s25 =	simm.s32 $0x1B8E;
	s24 =	sld [smem:$0x3FFE];
	[sflag:s23] =	ssyncadd.s32 $0xFFFFFFFF  }
0xa5: {  	s26 =	simm.s32 $execute0_lowered;
	[smem:$0x3FD2] =	sst s25  }
0xa6: {  	s4 =	sshll.u32 s26, $0x1;
	_ =	strace $0x80000049;
	[dreg:$0x1] =	wrdreg $0xFFFFFFFF  }
0xa7: {  	s28 =	simm.s32 $_size_execute0_lowered;
	s2 =	sadd.s32 s2, s4;
	[dreg:$0x0] =	wrdreg $0x0  }
0xa8: {  	s4 =	sshll.u32 s28, $0x1;
	[dreg:$0x2] =	wrdreg s2  }
0xa9: {  	[dreg:$0x3] =	wrdreg s4  }
0xaa: {  	[dreg:$0x4] =	wrdreg $0xC0  }
0xab: {  	_ =	task [dreg:s6], $0x5FFFF  }
0xac: {  	[dreg:$0x1] =	wrdreg $0xFFFFFFFF  }
0xad: {  	[dreg:$0x0] =	wrdreg $0x60  }
0xae: {  	[dreg:$0x2] =	wrdreg s24  }
0xaf: {  	[dreg:$0x3] =	wrdreg $0x60000  }
0xb0: {  	[dreg:$0x4] =	wrdreg $0x9  }
0xb1: {  	_ =	task.clear_ibuf [dreg:s6], $0x5FFFF;
	_ =	strace $0x90000049  }
0xb2: {  	s29 =	simm.s32 $0x9;
	_ =	strace $0x8000004B  }
0xb3: {  	_ =	swait.ge [sflag:s29], $0x1  }
0xb4: {  	[sflag:s29] =	ssyncadd.s32 $0xFFFFFFFF  }
0xb5: {  	_ =	strace $0x9000004B  }
0xb6: {  	_ =	sfence  }
0xb7: {  	s30 =	sld [smem:$0x0];
	_ =	sdelay $0x2  }
0xb8: {  	s31 =	sshll.u32 s1, $0xD;
	s1 =	sshrl.u32 s1, $0x2  }
0xb9: {  	s3 =	sand.u32 $0x4000, s31;
	s1 =	sadd.s32 s1, s30  }
0xba: {  	s0 =	sor.u32 s3, s0;
	s1 =	sshll.u32 s1, $0x11  }
0xbb: {  	s0 =	sor.u32 s1, s0  }
0xbc: {  	s0 =	sadd.s32 $0x8F2B, s0  }
0xbd: {  	[sflag:s0] =	ssyncadd.remote.s32 $0x1  }
0xbe: {  	_ =	sfence.sel $0xFFFF  }
0xbf: {  	[dreg:$0x0] =	wrdreg $0xFFFFFFFF;
	(pc) =	sbr.abs _section_cstart, $3  }
0xc0: {  	[dreg:$0x1] =	wrdreg $0xFFFFFFFF  }
0xc1: {  	_ =	task.clear_ibuf [dreg:s6], $0x2FFFF;
	_ =	strace $0x9FFFFFFF  }
0xc2: {  	(tm) =	ssettm $0x7FFFFFFF  }
0xc3: {  	_ =	shalt  }
tec
execute0_lowered:
.L_overlay_start_1:
0x0: {  	(tag) =	ssettag $0x1  }
0x1: {  	s6 =	rddreg [dreg:$0x0]  }
0x2: {  	s0 =	srdreg.scid;
	s2 =	rddreg [dreg:$0x1]  }
0x3: {  	s3 =	simm.s32 $0x0;
	s14 =	simm.s32 $0x100;
	s15 =	simm.s32 $0x5000  }
0x4: {  	s16 =	simm.s32 $0x5800;
	s17 =	simm.s32 $0x1;
	s18 =	simm.s32 $0x2  }
0x5: {  	s19 =	simm.s32 $0x2700;
	s20 =	simm.s32 $0x4E00;
	s21 =	simm.s32 $0x4F00  }
0x6: {  	s22 =	simm.s32 $0x0;
	s5 =	sand.u32 $0x1, s0;
	s0 =	stileid.u32  }
0x7: {  	[smem:$0x7FF] =	sst s3;
	s1 =	sshll.u32 s5, $0x4;
	s7 =	smul.u32 $0x2780, s0  }
0x8: {  	s8 =	smul.u32 $0x27800, s5;
	s5 =	ssub.s32 $0x2, s5;
	s1 =	sor.u32 s0, s1  }
0x9: {  	s31 =	sshll.u32 s0, $0x6;
	s30 =	sshrl.u32 s5, $0x1;
	s4 =	smul.u32 $0x500, s1  }
0xa: {  	s1 =	rddreg [dreg:$0x2];
	_ =	strace $0x8000004A;
	s10 =	sshrl.u32 s7, $0x4  }
0xb: {  	s8 =	sadd.s32 s7, s8;
	s7 =	sshrl.u32 s7, $0x1;
	s12 =	ssub.s32 s5, s30  }
0xc: {  	s10 =	sadd.s32 s10, s6;
	s8 =	sshrl.u32 s8, $0x4;
	s13 =	sadd.s32 s7, s2  }
0xd: {  	s9 =	sadd.s32 s4, s6;
	s4 =	sadd.s32 $0x2000, s6;
	s11 =	sadd.s32 s8, s6  }
0xe: {  	s5 =	sadd.s32 $0x56200, s10;
	s6 =	sor.u32 $0x1C03, s31;
	s10 =	smax.u32 s12, $0x1  }
0xf: {  	s12 =	simm.s32 $0x3;
	s7 =	sadd.s32 $0x29800, s9;
	s8 =	sadd.s32 $0x1F800, s9  }
0x10: {  	s9 =	sadd.s32 $0x4800, s11;
	s11 =	sshrl.u32 s13, $0x3;
	s13 =	simm.s32 $0x2800  }
.LBB2_1:
0x11: {  	[spmem:s11], [sflag:s6] =	dma.local [hbm:s5], $0x278  }
0x12: {  	_ =	swait.ge [sflag:s12], $0x278  }
0x13: {  	[sflag:s12] =	ssyncset.done $0x0  }
0x14: {  	[sflag:s12] =	ssyncadd.s32 $0xFFFFFD88  }
0x15: {  	[tilespmem:s3], [sflag:$0x3] =	stream.linear.gather [hbm4b:s7+s3], $0x2800, $0x38;
	[tilespmem:$0x73C0] =	vst v63  }
0x16: {  	_ =	swait.ge [sflag:s12], $0x2800  }
0x17: {  	[sflag:s12] =	ssyncset.done $0x0  }
0x18: {  	[sflag:s12] =	ssyncadd.s32 $0xFFFFD800  }
0x19: {  	[tilespmem:s13], [sflag:$0x3] =	stream.linear.gather [hbm4b:s8+s3], $0x2800, $0x38;
	[tilespmem:$0x73C0] =	vst v63  }
0x1a: {  	_ =	swait.ge [sflag:s12], $0x2800  }
0x1b: {  	[sflag:s12] =	ssyncset.done $0x0  }
0x1c: {  	[sflag:s12] =	ssyncadd.s32 $0xFFFFD800  }
0x1d: {  	[bflag:$0x0] =	sbarrier.arrive $0xFFFF  }
0x1e: {  	[tilespmem:s15], [sflag:$0x1] =	stream.indirect.gather [hbm4b:s4+s14], $0x8, s3, s14, $0xb8;
	[tilespmem:$0x73C0] =	vst v63  }
0x1f: {  	s23 =	simm.s32 $0x100  }
0x20: {  	[tilespmem:s16], [sflag:$0x2] =	stream.indirect.gather [hbm4b:s4+s14], $0x8, s23, s14, $0xb8;
	[tilespmem:$0x73C0] =	vst v63  }
0x21: {  	_ =	swait.ge [sflag:s17], $0x800  }
0x22: {  	[sflag:s17] =	ssyncset.done $0x0  }
0x23: {  	s29 =	simm.s32 $0x2800;
	[sflag:s17] =	ssyncadd.s32 $0xFFFFF800  }
0x24: {  	[spmem:s2] =	stream.indirect.scatter.add.bf16 [tilespmem:s15], [sflag:$0x3], $0x8, s29, s14, $0xb8;
	[tilespmem:$0x73C0] =	vst v63  }
0x25: {  	_ =	swait.ge [sflag:s12], $0x800  }
0x26: {  	[sflag:s12] =	ssyncset.done $0x0  }
0x27: {  	s30 =	simm.s32 $0x200;
	[sflag:s12] =	ssyncadd.s32 $0xFFFFF800  }
0x28: {  	[tilespmem:s15], [sflag:$0x1] =	stream.indirect.gather [hbm4b:s4+s14], $0x8, s30, s14, $0xb8;
	[tilespmem:$0x73C0] =	vst v63  }
0x29: {  	_ =	swait.ge [sflag:s18], $0x800  }
0x2a: {  	[sflag:s18] =	ssyncset.done $0x0  }
0x2b: {  	s31 =	simm.s32 $0x2900;
	[sflag:s18] =	ssyncadd.s32 $0xFFFFF800  }
0x2c: {  	[spmem:s2] =	stream.indirect.scatter.add.bf16 [tilespmem:s16], [sflag:$0x3], $0x8, s31, s14, $0xb8;
	[tilespmem:$0x73C0] =	vst v63  }
0x2d: {  	_ =	swait.ge [sflag:s12], $0x800  }
0x2e: {  	s24 =	simm.s32 $0x1000;
	s23 =	simm.s32 $0x200;
	[sflag:s12] =	ssyncset.done $0x0  }
.LBB2_2:
0x2f: {  	s25 =	sadd.s32 $0x100, s23  }
0x30: {  	[sflag:s12] =	ssyncadd.s32 $0xFFFFF800;
	s26 =	smov.u32 s24;
	s28 =	sadd.s32 $0x800, s24  }
0x31: {  	[tilespmem:s16], [sflag:$0x2] =	stream.indirect.gather [hbm4b:s4+s14], $0x8, s25, s14, $0xb8;
	[tilespmem:$0x73C0] =	vst v63  }
0x32: {  	p0 =	sne.s32 s24, $0x9000;
	_ =	swait.ge [sflag:s17], $0x800  }
0x33: {  	[sflag:s17] =	ssyncset.done $0x0  }
0x34: {  	s24 =	sadd.s32 $0x2800, s23;
	[sflag:s17] =	ssyncadd.s32 $0xFFFFF800  }
0x35: {  	[spmem:s2] =	stream.indirect.scatter.add.bf16 [tilespmem:s15], [sflag:$0x3], $0x8, s24, s14, $0xb8;
	[tilespmem:$0x73C0] =	vst v63  }
0x36: {  	_ =	swait.ge [sflag:s12], $0x800  }
0x37: {  	[sflag:s12] =	ssyncset.done $0x0  }
0x38: {  	s24 =	sadd.s32 $0x200, s23;
	[sflag:s12] =	ssyncadd.s32 $0xFFFFF800  }
0x39: {  	[tilespmem:s15], [sflag:$0x1] =	stream.indirect.gather [hbm4b:s4+s14], $0x8, s24, s14, $0xb8;
	[tilespmem:$0x73C0] =	vst v63  }
0x3a: {  	_ =	swait.ge [sflag:s18], $0x800  }
.Ltmp0:
0x3b: {  	[sflag:s18] =	ssyncset.done $0x0;
	(pc) =	sbr.rel @p0 .LBB2_2-.Ltmp0, $4  }
0x3c: {  	s23 =	sadd.s32 $0x2900, s23;
	[sflag:s18] =	ssyncadd.s32 $0xFFFFF800  }
0x3d: {  	[spmem:s2] =	stream.indirect.scatter.add.bf16 [tilespmem:s16], [sflag:$0x3], $0x8, s23, s14, $0xb8;
	[tilespmem:$0x73C0] =	vst v63  }
0x3e: {  	_ =	swait.ge [sflag:s12], $0x800  }
0x3f: {  	s24 =	smov.u32 s28;
	s23 =	sshra.s32 s26, $0x2;
	[sflag:s12] =	ssyncset.done $0x0  }
0x40: {  	s24 =	sadd.s32 $0x100, s23;
	[sflag:s12] =	ssyncadd.s32 $0xFFFFF800  }
0x41: {  	[tilespmem:s16], [sflag:$0x2] =	stream.indirect.gather [hbm4b:s4+s14], $0x8, s24, s14, $0xb8;
	[tilespmem:$0x73C0] =	vst v63  }
0x42: {  	_ =	swait.ge [sflag:s17], $0x800  }
0x43: {  	[sflag:s17] =	ssyncset.done $0x0  }
0x44: {  	s29 =	sadd.s32 $0x2800, s23;
	[sflag:s17] =	ssyncadd.s32 $0xFFFFF800  }
0x45: {  	[spmem:s2] =	stream.indirect.scatter.add.bf16 [tilespmem:s15], [sflag:$0x3], $0x8, s29, s14, $0xb8;
	[tilespmem:$0x73C0] =	vst v63  }
0x46: {  	_ =	swait.ge [sflag:s12], $0x800  }
0x47: {  	[sflag:s12] =	ssyncset.done $0x0  }
0x48: {  	s30 =	sadd.s32 $0x200, s23;
	[sflag:s12] =	ssyncadd.s32 $0xFFFFF800  }
0x49: {  	[tilespmem:s15], [sflag:$0x1] =	stream.indirect.gather [hbm4b:s4+s14], $0x8, s30, s14, $0xb8;
	[tilespmem:$0x73C0] =	vst v63  }
0x4a: {  	_ =	swait.ge [sflag:s18], $0x800  }
0x4b: {  	[sflag:s18] =	ssyncset.done $0x0  }
0x4c: {  	s31 =	sadd.s32 $0x2900, s23;
	[sflag:s18] =	ssyncadd.s32 $0xFFFFF800  }
0x4d: {  	[spmem:s2] =	stream.indirect.scatter.add.bf16 [tilespmem:s16], [sflag:$0x3], $0x8, s31, s14, $0xb8;
	[tilespmem:$0x73C0] =	vst v63  }
0x4e: {  	_ =	swait.ge [sflag:s12], $0x800  }
0x4f: {  	[sflag:s12] =	ssyncset.done $0x0  }
0x50: {  	[sflag:s12] =	ssyncadd.s32 $0xFFFFF800  }
0x51: {  	[tilespmem:s16], [sflag:$0x2] =	stream.indirect.gather [hbm4b:s4+s14], $0x8, s19, s14, $0xb8;
	[tilespmem:$0x73C0] =	vst v63  }
0x52: {  	_ =	swait.ge [sflag:s17], $0x800  }
0x53: {  	[sflag:s17] =	ssyncset.done $0x0  }
0x54: {  	[sflag:s17] =	ssyncadd.s32 $0xFFFFF800  }
0x55: {  	[spmem:s2] =	stream.indirect.scatter.add.bf16 [tilespmem:s15], [sflag:$0x3], $0x8, s20, s14, $0xb8;
	[tilespmem:$0x73C0] =	vst v63  }
0x56: {  	_ =	swait.ge [sflag:s12], $0x800  }
0x57: {  	[sflag:s12] =	ssyncset.done $0x0  }
0x58: {  	[sflag:s12] =	ssyncadd.s32 $0xFFFFF800  }
0x59: {  	_ =	swait.ge [sflag:s18], $0x800  }
0x5a: {  	[sflag:s18] =	ssyncset.done $0x0  }
0x5b: {  	[sflag:s18] =	ssyncadd.s32 $0xFFFFF800  }
0x5c: {  	[spmem:s2] =	stream.indirect.scatter.add.bf16 [tilespmem:s16], [sflag:$0x3], $0x8, s21, s14, $0xb8;
	[tilespmem:$0x73C0] =	vst v63  }
0x5d: {  	_ =	swait.ge [sflag:s12], $0x800  }
0x5e: {  	s22 =	sadd.s32 $0x1, s22;
	[sflag:s12] =	ssyncset.done $0x0  }
0x5f: {  	p0 =	sne.s32 s22, s10;
	[sflag:s12] =	ssyncadd.s32 $0xFFFFF800  }
.Ltmp1:
0x60: {  	[bflag:$0x0] =	sbarrier.arrive $0xFFFF;
	(pc) =	sbr.rel @p0 .LBB2_1-.Ltmp1, $4  }
0x61: {  	[hbm:s9], [sflag:s6] =	dma.local [spmem:s11], $0x278  }
0x62: {  	_ =	swait.ge [sflag:s12], $0x278  }
0x63: {  	[sflag:s12] =	ssyncset.done $0x0  }
0x64: {  	[sflag:s12] =	ssyncadd.s32 $0xFFFFFD88  }
0x65: {  	_ =	sfence.sel $0x180000  }
0x66: {  	[bflag:$0x0] =	sbarrier.arrive $0xFFFF  }
0x67: {  	p0 =	sne.s32 s0, $0x0;
	_ =	strace $0x9000004A  }
0x68: {  	s0 =	sadd.s32 @!p0 $0x100000, s1;
	[bflag:$0x2] =	sbarrier.arrive $0xFFFF  }
0x69: {  	[sflag:s0] =	ssyncadd.tile.s32 @!p0 $0x1;
	_ =	shalt  }
.Lfunc_end2:
_tile_overlayer_lowered:
.L_overlay_start_2:
0x6a: {  	(tag) =	ssettag $0x2  }
0x6b: {  	s0 =	rddreg [dreg:$0x0];
	s2 =	stileid.u32  }
0x6c: {  	s1 =	rddreg [dreg:$0x1];
	p0 =	sne.s32 s2, $0x0  }
0x6d: {  	s3 =	rddreg [dreg:$0x2];
	[bflag:$0x3] =	sbarrier.arrive $0xFFFF;
	s2 =	simm.s32 @!p0 $0x1C03  }
0x6e: {  	[timem:s3], [sflag:s2] =	dma.local @!p0 [hbm:s0], s1  }
0x6f: {  	s0 =	simm.s32 @!p0 $0x3  }
0x70: {  	_ =	swait.ge @!p0 [sflag:s0], s1  }
0x71: {  	s1 =	ssub.s32 @!p0 $0x0, s1;
	[sflag:s0] =	ssyncset.done @!p0 $0x0  }
0x72: {  	[sflag:s0] =	ssyncadd.s32 @!p0 s1  }
0x73: {  	[bflag:$0x3] =	sbarrier.arrive $0xFFFF  }
0x74: {  	_ =	shalt  }

// kernel: kernel.7.cloned.1.call-start
scs
__scs_entry_jumppad:
0x0: {  	(pc) =	sbr.rel $0x88, $3  }
0x1: {  	(tag) =	ssettag $0x0;
	lr =	simm.s32 $0x1  }
0x2: {  	[smem:$0x3F95] =	sst lr;
	_ =	strace $0xD0000000  }
0x3: {  	_ = 	snop  }
0x4: {  	_ = 	snop  }
0x5: {  	_ = 	snop  }
0x6: {  	_ = 	snop  }
0x7: {  	_ = 	snop  }
__scs_overlays_trampoline_lowered:
0x8: {  	[smem:$0x3FA4] =	sst s0  }
0x9: {  	[smem:$0x3FA5] =	sst s1  }
0xa: {  	[smem:$0x3FA6] =	sst s2  }
0xb: {  	[smem:$0x3FA7] =	sst s3  }
0xc: {  	[smem:$0x3FA8] =	sst s4  }
0xd: {  	[smem:$0x3FA9] =	sst s5  }
0xe: {  	[smem:$0x3FAA] =	sst s6  }
0xf: {  	[smem:$0x3FAB] =	sst s7  }
0x10: {  	[smem:$0x3FAC] =	sst s8  }
0x11: {  	[smem:$0x3FAD] =	sst s9;
	s0 =	simm.s32 @!p0 $0x0  }
0x12: {  	s1 =	sld [smem:$0x3F93];
	s0 =	simm.s32 @p0 $0x1  }
0x13: {  	[smem:$0x3FAE] =	sst s0;
	s0 =	simm.s32 @!p1 $0x0  }
0x14: {  	s2 =	sld [smem:$0x3F92];
	s0 =	simm.s32 @p1 $0x1  }
0x15: {  	[smem:$0x3FAF] =	sst s0;
	s0 =	simm.s32 @!p2 $0x0  }
0x16: {  	s3 =	sld [smem:$0x3FDB];
	s0 =	simm.s32 @p2 $0x1  }
0x17: {  	s4 =	simm.s32 $0x1BF5;
	[smem:$0x3FB1] =	sst s0  }
0x18: {  	s0 =	sld [smem:$0x3F94];
	_ =	swait.ge [sflag:s4], $0x0  }
0x19: {  	s7 =	sld [smem:$0x3F95]  }
0x1a: {  	s8 =	sadd.s32 $0xFFFFE003, lr  }
0x1b: {  	s9 =	sadd.s32 $0xFFFFFEF7, lr;
	s5 =	simm.s32 $0xFFFFFFFF;
	p2 =	slt.u32 s8, $0xFFFFF086  }
0x1c: {  	p1 =	slt.u32 s9, $0xF7A;
	s5 =	simm.s32 @!p2 $0x0  }
0x1d: {  	s5 =	simm.s32 @p1 $0x1;
	p0 =	seq.s32 s7, s2  }
0x1e: {  	s7 =	smul.u32 @!p0 $0xF7A, s2;
	p2 =	seq.s32 @!p0 s5, $0x0  }
0x1f: {  	s9 =	smul.u32 $0xF7A, s1;
	s8 =	simm.s32 @!p0 $0x1BF5;
	p2 =	por !p2, p0  }
0x20: {  	[sflag:s8] =	ssyncset.s32 @!p0 $0xFFFFF086;
	s6 =	sadd.s32 @!p0 s3, s7;
	s7 =	simm.s32 @!p0 $0x108  }
0x21: {  	s3 =	sadd.s32 s3, s9;
	s6 =	sadd.s32 @!p0 $0x88, s6;
	s7 =	simm.s32 @p2 $0x1082  }
0x22: {  	[simem:s7], [sflag:s8] =	dma.local @!p0 [hbm:s6], $0xF7A  }
0x23: {  	s9 =	sor.u32 $0xD0000000, s2;
	s6 =	simm.s32 $0x108;
	_ =	swait.ge @!p0 [sflag:s8], $0x0  }
0x24: {  	s3 =	sadd.s32 $0x88, s3;
	s6 =	simm.s32 @!p1 $0x1082;
	[sflag:s4] =	ssyncset.s32 $0xFFFFF086  }
0x25: {  	[simem:s6], [sflag:s4] =	dma.local [hbm:s3], $0xF7A  }
0x26: {  	[smem:$0x3F95] =	sst s1;
	(tag) =	ssettag s2;
	_ =	strace s9  }
0x27: {  	s1 =	sld [smem:$0x3FA5]  }
0x28: {  	s2 =	sld [smem:$0x3FA6]  }
0x29: {  	s4 =	sld [smem:$0x3FA8]  }
0x2a: {  	p0 =	seq.s32 s5, $0x0;
	s5 =	sld [smem:$0x3FA9]  }
0x2b: {  	s6 =	sld [smem:$0x3FAA]  }
0x2c: {  	s7 =	sld [smem:$0x3FAB]  }
0x2d: {  	s3 =	simm.s32 $0x108;
	s8 =	sld [smem:$0x3FAC]  }
0x2e: {  	s3 =	simm.s32 @!p0 $0x1082;
	s9 =	sld [smem:$0x3FAD]  }
0x2f: {  	lr =	sadd.s32 s0, s3;
	s0 =	sld [smem:$0x3FA4]  }
0x30: {  	s3 =	sld [smem:$0x3FA7]  }
0x31: {  	[smem:$0x3FB0] =	sst s10  }
0x32: {  	s10 =	sld [smem:$0x3FAE];
	_ =	sdelay $0x3  }
0x33: {  	p0 =	seq.s32 s10, $0x1;
	s10 =	sld [smem:$0x3FB0];
	_ =	sdelay $0x3  }
0x34: {  	[smem:$0x3FB0] =	sst s10  }
0x35: {  	s10 =	sld [smem:$0x3FAF];
	_ =	sdelay $0x3  }
0x36: {  	p1 =	seq.s32 s10, $0x1;
	s10 =	sld [smem:$0x3FB0];
	_ =	sdelay $0x3  }
0x37: {  	[smem:$0x3FB0] =	sst s10  }
0x38: {  	s10 =	sld [smem:$0x3FB1]  }
0x39: {  	_ = 	snop;
	(pc) =	sbr.ind lr, $3  }
0x3a: {  	_ = 	snop  }
0x3b: {  	_ = 	snop  }
0x3c: {  	p2 =	seq.s32 s10, $0x1;
	s10 =	sld [smem:$0x3FB0]  }
0x3d: {  	_ =	shalt  }
0x3e: {  	_ =	shalt  }
0x3f: {  	_ =	shalt  }
0x40: {  	_ =	shalt  }
0x41: {  	_ =	shalt  }
0x42: {  	_ =	shalt  }
0x43: {  	_ =	shalt  }
0x44: {  	_ =	shalt  }
0x45: {  	_ =	shalt  }
0x46: {  	_ =	shalt  }
0x47: {  	_ =	shalt  }
0x48: {  	_ =	shalt  }
0x49: {  	_ =	shalt  }
0x4a: {  	_ =	shalt  }
0x4b: {  	_ =	shalt  }
0x4c: {  	_ =	shalt  }
0x4d: {  	_ =	shalt  }
0x4e: {  	_ =	shalt  }
0x4f: {  	_ =	shalt  }
0x50: {  	_ =	shalt  }
0x51: {  	_ =	shalt  }
0x52: {  	_ =	shalt  }
0x53: {  	_ =	shalt  }
0x54: {  	_ =	shalt  }
0x55: {  	_ =	shalt  }
0x56: {  	_ =	shalt  }
0x57: {  	_ =	shalt  }
0x58: {  	_ =	shalt  }
0x59: {  	_ =	shalt  }
0x5a: {  	_ =	shalt  }
0x5b: {  	_ =	shalt  }
0x5c: {  	_ =	shalt  }
0x5d: {  	_ =	shalt  }
0x5e: {  	_ =	shalt  }
0x5f: {  	_ =	shalt  }
0x60: {  	_ =	shalt  }
0x61: {  	_ =	shalt  }
0x62: {  	_ =	shalt  }
0x63: {  	_ =	shalt  }
0x64: {  	_ =	shalt  }
0x65: {  	_ =	shalt  }
0x66: {  	_ =	shalt  }
0x67: {  	_ =	shalt  }
0x68: {  	_ =	shalt  }
0x69: {  	_ =	shalt  }
0x6a: {  	_ =	shalt  }
0x6b: {  	_ =	shalt  }
0x6c: {  	_ =	shalt  }
0x6d: {  	_ =	shalt  }
0x6e: {  	_ =	shalt  }
0x6f: {  	_ =	shalt  }
0x70: {  	_ =	shalt  }
0x71: {  	_ =	shalt  }
0x72: {  	_ =	shalt  }
0x73: {  	_ =	shalt  }
0x74: {  	_ =	shalt  }
0x75: {  	_ =	shalt  }
0x76: {  	_ =	shalt  }
0x77: {  	_ =	shalt  }
0x78: {  	_ =	shalt  }
0x79: {  	_ =	shalt  }
0x7a: {  	_ =	shalt  }
0x7b: {  	_ =	shalt  }
0x7c: {  	_ =	shalt  }
0x7d: {  	_ =	shalt  }
0x7e: {  	_ =	shalt  }
0x7f: {  	_ =	shalt  }
0x80: {  	_ =	shalt  }
0x81: {  	_ =	shalt  }
0x82: {  	_ =	shalt  }
0x83: {  	_ =	shalt  }
0x84: {  	_ =	shalt  }
0x85: {  	_ =	shalt  }
0x86: {  	_ =	shalt  }
0x87: {  	_ =	shalt  }
.Lfunc_end0:
.L_simem_size_0:
called_computation_lowered:
.L_overlay_start_0:
0x88: {  	s2 =	sld [smem:$0x3FD9]  }
0x89: {  	s3 =	sld [smem:$0x3FFE];
	_ =	sdelay $0x1  }
0x8a: {  	s1 =	srdreg.scid  }
0x8b: {  	s0 =	sand.u32 $0x1, s1  }
0x8c: {  	s16 =	sshll.u32 s0, $0xA;
	s2 =	sadd.s32 s3, s2  }
0x8d: {  	s2 =	sadd.s32 s2, s16  }
0x8e: {  	[smem:$0x3FBC] =	sst s2  }
0x8f: {  	_ = 	snop  }
0x90: {  	(tm) =	ssettm $0x1  }
0x91: {  	s17 =	sld [smem:$0x3FFB];
	_ =	sdelay $0x3  }
0x92: {  	_ =	strace s17  }
0x93: {  	s2 =	sld [smem:$0x3FFC];
	_ =	sdelay $0x3  }
0x94: {  	_ =	strace s2  }
0x95: {  	s2 =	sld [smem:$0x3FFD];
	_ =	sdelay $0x3  }
0x96: {  	_ =	strace s2  }
0x97: {  	_ =	strace $0x8FFFFFFF  }
0x98: {  	s18 =	sld [smem:$0x3FDB];
	_ =	sdelay $0x1  }
0x99: {  	s19 =	simm.s32 $_scs_section_size  }
0x9a: {  	s4 =	simm.s32 $_size__tile_overlayer_lowered;
	s5 =	simm.s32 $_tile_overlayer_lowered  }
0x9b: {  	s22 =	simm.s32 $0x1BFF;
	s21 =	sshll.u32 s5, $0x1;
	s2 =	sadd.s32 s19, s18  }
0x9c: {  	s6 =	simm.s32 $0x0;
	s20 =	sshll.u32 s4, $0x1;
	s4 =	sadd.s32 s21, s2  }
0x9d: {  	[timem:s6], [sflag:s22] =	dma.local [hbm:s4], s20  }
0x9e: {  	_ =	swait.ge [sflag:s22], s20  }
0x9f: {  	s3 =	ssub.s32 $0x0, s20;
	[sflag:s22] =	ssyncset.done $0x0  }
0xa0: {  	[sflag:s22] =	ssyncadd.s32 s3;
	_ =	sdelay $0x1  }
0xa1: {  	s23 =	simm.s32 $0x1B8B  }
0xa2: {  	_ =	swait.ge [sflag:s23], $0x1  }
0xa3: {  	[sflag:s23] =	ssyncset.done $0x0  }
0xa4: {  	s25 =	simm.s32 $0x1B8E;
	s24 =	sld [smem:$0x3FFE];
	[sflag:s23] =	ssyncadd.s32 $0xFFFFFFFF  }
0xa5: {  	s26 =	simm.s32 $execute0_lowered;
	[smem:$0x3FD2] =	sst s25  }
0xa6: {  	s4 =	sshll.u32 s26, $0x1;
	_ =	strace $0x80000046;
	[dreg:$0x1] =	wrdreg $0xFFFFFFFF  }
0xa7: {  	s28 =	simm.s32 $_size_execute0_lowered;
	s2 =	sadd.s32 s2, s4;
	[dreg:$0x0] =	wrdreg $0x0  }
0xa8: {  	s4 =	sshll.u32 s28, $0x1;
	[dreg:$0x2] =	wrdreg s2  }
0xa9: {  	[dreg:$0x3] =	wrdreg s4  }
0xaa: {  	[dreg:$0x4] =	wrdreg $0xC0  }
0xab: {  	_ =	task [dreg:s6], $0x5FFFF  }
0xac: {  	[dreg:$0x1] =	wrdreg $0xFFFFFFFF  }
0xad: {  	[dreg:$0x0] =	wrdreg $0x60  }
0xae: {  	[dreg:$0x2] =	wrdreg s24  }
0xaf: {  	[dreg:$0x3] =	wrdreg $0xF0000  }
0xb0: {  	[dreg:$0x4] =	wrdreg $0x13F000  }
0xb1: {  	[dreg:$0x5] =	wrdreg $0x9  }
0xb2: {  	_ =	task.clear_ibuf [dreg:s6], $0x6FFFF;
	_ =	strace $0x90000046  }
0xb3: {  	s29 =	simm.s32 $0x9;
	_ =	strace $0x80000048  }
0xb4: {  	_ =	swait.ge [sflag:s29], $0x1  }
0xb5: {  	[sflag:s29] =	ssyncadd.s32 $0xFFFFFFFF  }
0xb6: {  	_ =	strace $0x90000048  }
0xb7: {  	_ =	sfence  }
0xb8: {  	s30 =	sld [smem:$0x0];
	_ =	sdelay $0x2  }
0xb9: {  	s31 =	sshll.u32 s1, $0xD;
	s1 =	sshrl.u32 s1, $0x2  }
0xba: {  	s3 =	sand.u32 $0x4000, s31;
	s1 =	sadd.s32 s1, s30  }
0xbb: {  	s0 =	sor.u32 s3, s0;
	s1 =	sshll.u32 s1, $0x11  }
0xbc: {  	s0 =	sor.u32 s1, s0  }
0xbd: {  	s0 =	sadd.s32 $0x8F2B, s0  }
0xbe: {  	[sflag:s0] =	ssyncadd.remote.s32 $0x1  }
0xbf: {  	_ =	sfence.sel $0xFFFF  }
0xc0: {  	[dreg:$0x0] =	wrdreg $0xFFFFFFFF;
	(pc) =	sbr.abs _section_cstart, $3  }
0xc1: {  	[dreg:$0x1] =	wrdreg $0xFFFFFFFF  }
0xc2: {  	_ =	task.clear_ibuf [dreg:s6], $0x2FFFF;
	_ =	strace $0x9FFFFFFF  }
0xc3: {  	(tm) =	ssettm $0x7FFFFFFF  }
tec
execute0_lowered:
.L_overlay_start_1:
0x0: {  	(tag) =	ssettag $0x1  }
0x1: {  	s0 =	rddreg [dreg:$0x0]  }
0x2: {  	s2 =	rddreg [dreg:$0x1];
	s16 =	stileid.u32  }
0x3: {  	s1 =	srdreg.scid;
	s3 =	rddreg [dreg:$0x2]  }
0x4: {  	s4 =	simm.s32 $0x0;
	s18 =	simm.s32 $0x100;
	s5 =	smul.u32 $0xA00, s16  }
0x5: {  	s19 =	simm.s32 $0xA000;
	s20 =	simm.s32 $0xC000;
	s7 =	smul.u32 $0x9E00, s16  }
0x6: {  	s21 =	simm.s32 $0x1;
	s1 =	sand.u32 $0x1, s1;
	s8 =	smul.u32 $0x2780, s16  }
0x7: {  	s22 =	simm.s32 $0x2;
	[smem:$0x7FF] =	sst s4;
	s6 =	smul.u32 $0x9C40, s1  }
0x8: {  	s30 =	sshll.u32 s16, $0x6;
	_ =	strace $0x80000047;
	s24 =	smul.u32 $0x9E000, s1  }
0x9: {  	s12 =	smul.u32 $0x27800, s1;
	s13 =	ssub.s32 $0x2, s1;
	p0 =	sne.s32 s1, $0x0  }
0xa: {  	p1 =	seq.s32 s1, $0x0;
	s9 =	sadd.s32 s5, s0;
	s25 =	sshrl.u32 s7, $0x4  }
0xb: {  	s11 =	sshrl.u32 s8, $0x3;
	s28 =	sshrl.u32 s13, $0x1;
	s29 =	sshrl.u32 s7, $0x1  }
0xc: {  	s31 =	sadd.s32 s8, s3;
	s10 =	sadd.s32 s6, s0;
	s6 =	sadd.s32 s25, s0  }
0xd: {  	s11 =	sadd.s32 s11, s0;
	s5 =	sadd.s32 s7, s24;
	s12 =	sadd.s32 s8, s12  }
0xe: {  	s13 =	ssub.s32 s13, s28;
	s15 =	sadd.s32 s29, s2;
	s8 =	sadd.s32 $0x29800, s9  }
0xf: {  	s9 =	sadd.s32 $0x1F800, s9;
	s16 =	sshrl.u32 s31, $0x3;
	s24 =	simm.s32 $0x9E00  }
0x10: {  	s25 =	simm.s32 $0x3;
	s5 =	sshrl.u32 s5, $0x4;
	s26 =	sshrl.u32 s12, $0x3  }
0x11: {  	s7 =	sadd.s32 $0x33800, s11;
	s10 =	sadd.s32 $0x2000, s10;
	s13 =	smax.u32 s13, $0x1  }
0x12: {  	s14 =	sadd.s32 s5, s0;
	s0 =	sadd.s32 s26, s0;
	s5 =	sadd.s32 $0x15A00, s6  }
0x13: {  	s6 =	sor.u32 $0x1C04, s30;
	s26 =	simm.s32 $0x0;
	s11 =	sadd.s32 $0x42600, s14  }
0x14: {  	v0 =	vimm.f32 $1.000000000e+00;
	s12 =	sadd.s32 $0x38800, s0;
	s14 =	sshrl.u32 s15, $0x3;
	s15 =	simm.s32 $0x4  }
.LBB2_1:
0x15: {  	[spmem:s14], [sflag:s6] =	dma.local [hbm:s5], $0x9E0  }
0x16: {  	_ =	swait.ge [sflag:s15], $0x9E0  }
0x17: {  	[sflag:s15] =	ssyncset.done $0x0  }
0x18: {  	[sflag:s15] =	ssyncadd.s32 $0xFFFFF620  }
0x19: {  	[spmem:s16], [sflag:s6] =	dma.local [hbm:s7], $0x4F0  }
0x1a: {  	_ =	swait.ge [sflag:s15], $0x4F0  }
0x1b: {  	[sflag:s15] =	ssyncset.done $0x0  }
0x1c: {  	[sflag:s15] =	ssyncadd.s32 $0xFFFFFB10  }
0x1d: {  	[tilespmem:s4], [sflag:$0x4] =	stream.linear.gather [hbm4b:s8+s4], $0x5000, $0x38;
	[tilespmem:$0x16680] =	vst v63  }
0x1e: {  	_ =	swait.ge [sflag:s15], $0x5000  }
0x1f: {  	[sflag:s15] =	ssyncset.done $0x0  }
0x20: {  	s0 =	simm.s32 $0x5000;
	[sflag:s15] =	ssyncadd.s32 $0xFFFFB000  }
0x21: {  	[tilespmem:s0], [sflag:$0x4] =	stream.linear.gather [hbm4b:s9+s4], $0x5000, $0x38;
	[tilespmem:$0x16680] =	vst v63  }
0x22: {  	_ =	swait.ge [sflag:s15], $0x5000  }
0x23: {  	[sflag:s15] =	ssyncset.done $0x0  }
0x24: {  	s1 =	simm.s32 $0x0;
	s0 =	simm.s32 $0x40;
	[sflag:s15] =	ssyncadd.s32 $0xFFFFB000  }
.LBB2_2:
0x25: {  	p2 =	sne.s32 s0, $0x3FC0;
	[tilespmem:s1+$0xE000] =	vst v0;
	s1 =	smov.u32 s0;
	s0 =	sadd.s32 $0x40, s0  }
.Ltmp0:
0x26: {  	(pc) =	sbr.rel @p2 .LBB2_2-.Ltmp0, $2  }
0x27: {  	_ =	sdelay $0x2  }
0x28: {  	s1 =	sshra.s32 s1, $0x2  }
0x29: {  	[tilespmem:s1+$0xE000] =	vst v0  }
0x2a: {  	s0 =	simm.s32 $0x0;
	[bflag:$0x0] =	sbarrier.arrive $0xFFFF  }
0x2b: {  	[tilespmem:s19], [sflag:$0x1] =	stream.indirect.gather [hbm4b:s10+s18], $0x20, s0, s18, $0xb8;
	[tilespmem:$0x16680] =	vst v63  }
0x2c: {  	s17 =	simm.s32 $0x100  }
0x2d: {  	[tilespmem:s20], [sflag:$0x2] =	stream.indirect.gather [hbm4b:s10+s18], $0x20, s17, s18, $0xb8;
	[tilespmem:$0x16680] =	vst v63  }
0x2e: {  	_ =	swait.ge [sflag:s21], $0x2000  }
0x2f: {  	[sflag:s21] =	ssyncset.done $0x0  }
0x30: {  	s0 =	simm.s32 $0x5000;
	[sflag:s21] =	ssyncadd.s32 $0xFFFFE000  }
0x31: {  	[spmem:s2] =	stream.indirect.scatter.add.bf16 [tilespmem:s19], [sflag:$0x4], $0x20, s0, s18, $0xb8;
	[tilespmem:$0x16680] =	vst v63  }
0x32: {  	_ =	swait.ge [sflag:s15], $0x2000  }
0x33: {  	[sflag:s15] =	ssyncset.done $0x0  }
0x34: {  	s29 =	simm.s32 @!p0 $0x100;
	s30 =	simm.s32 @!p0 $0xE000;
	[sflag:s15] =	ssyncadd.s32 $0xFFFFE000  }
0x35: {  	[spmem:s3] =	stream.indirect.scatter.add.f32 @!p0 [tilespmem:s30], [sflag:$0x3], $0x10, s0, s29, $0xb8;
	[tilespmem:$0x16680] =	vst v63  }
0x36: {  	s23 =	simm.s32 $0x200  }
0x37: {  	[tilespmem:s19], [sflag:$0x1] =	stream.indirect.gather [hbm4b:s10+s18], $0x20, s23, s18, $0xb8;
	[tilespmem:$0x16680] =	vst v63  }
0x38: {  	_ =	swait.ge [sflag:s22], $0x2000  }
0x39: {  	[sflag:s22] =	ssyncset.done $0x0  }
0x3a: {  	s17 =	simm.s32 $0x5100;
	[sflag:s22] =	ssyncadd.s32 $0xFFFFE000  }
0x3b: {  	[spmem:s2] =	stream.indirect.scatter.add.bf16 [tilespmem:s20], [sflag:$0x4], $0x20, s17, s18, $0xb8;
	[tilespmem:$0x16680] =	vst v63  }
0x3c: {  	_ =	swait.ge [sflag:s15], $0x2000  }
0x3d: {  	s28 =	simm.s32 $0x200;
	s31 =	simm.s32 $0x1000;
	[sflag:s15] =	ssyncset.done $0x0  }
0x3e: {  	s1 =	simm.s32 @!p1 $0x100;
	s0 =	simm.s32 @!p1 $0xE000;
	[sflag:s15] =	ssyncadd.s32 $0xFFFFE000  }
.LBB2_4:
0x3f: {  	[spmem:s3] =	stream.indirect.scatter.add.f32 @!p1 [tilespmem:s0], [sflag:$0x3], $0x10, s17, s1, $0xb8;
	[tilespmem:$0x16680] =	vst v63  }
0x40: {  	s23 =	sshra.s32 s31, $0x2;
	s31 =	sadd.s32 $0x800, s31;
	s17 =	sadd.s32 $0x100, s28  }
0x41: {  	[tilespmem:s20], [sflag:$0x2] =	stream.indirect.gather [hbm4b:s10+s18], $0x20, s17, s18, $0xb8;
	[tilespmem:$0x16680] =	vst v63  }
0x42: {  	p2 =	sne.s32 s31, $0x13800;
	_ =	swait.ge [sflag:s21], $0x2000  }
0x43: {  	[sflag:s21] =	ssyncset.done $0x0  }
0x44: {  	s17 =	sadd.s32 $0x5000, s28;
	[sflag:s21] =	ssyncadd.s32 $0xFFFFE000  }
0x45: {  	[spmem:s2] =	stream.indirect.scatter.add.bf16 [tilespmem:s19], [sflag:$0x4], $0x20, s17, s18, $0xb8;
	[tilespmem:$0x16680] =	vst v63  }
0x46: {  	_ =	swait.ge [sflag:s15], $0x2000  }
0x47: {  	[sflag:s15] =	ssyncset.done $0x0  }
0x48: {  	[sflag:s15] =	ssyncadd.s32 $0xFFFFE000  }
0x49: {  	[spmem:s3] =	stream.indirect.scatter.add.f32 @!p0 [tilespmem:s30], [sflag:$0x3], $0x10, s17, s29, $0xb8;
	[tilespmem:$0x16680] =	vst v63  }
0x4a: {  	s17 =	sadd.s32 $0x200, s28  }
0x4b: {  	[tilespmem:s19], [sflag:$0x1] =	stream.indirect.gather [hbm4b:s10+s18], $0x20, s17, s18, $0xb8;
	[tilespmem:$0x16680] =	vst v63  }
0x4c: {  	_ =	swait.ge [sflag:s22], $0x2000  }
0x4d: {  	[sflag:s22] =	ssyncset.done $0x0  }
.Ltmp1:
0x4e: {  	s17 =	sadd.s32 $0x5100, s28;
	[sflag:s22] =	ssyncadd.s32 $0xFFFFE000;
	(pc) =	sbr.rel @p2 .LBB2_4-.Ltmp1, $4  }
0x4f: {  	[spmem:s2] =	stream.indirect.scatter.add.bf16 [tilespmem:s20], [sflag:$0x4], $0x20, s17, s18, $0xb8;
	[tilespmem:$0x16680] =	vst v63  }
0x50: {  	s28 =	smov.u32 s23;
	_ =	swait.ge [sflag:s15], $0x2000  }
0x51: {  	[sflag:s15] =	ssyncset.done $0x0  }
0x52: {  	[sflag:s15] =	ssyncadd.s32 $0xFFFFE000  }
0x53: {  	[spmem:s3] =	stream.indirect.scatter.add.f32 @!p1 [tilespmem:s0], [sflag:$0x3], $0x10, s17, s1, $0xb8;
	[tilespmem:$0x16680] =	vst v63  }
0x54: {  	s29 =	sadd.s32 $0x100, s28  }
0x55: {  	[tilespmem:s20], [sflag:$0x2] =	stream.indirect.gather [hbm4b:s10+s18], $0x20, s29, s18, $0xb8;
	[tilespmem:$0x16680] =	vst v63  }
0x56: {  	_ =	swait.ge [sflag:s21], $0x2000  }
0x57: {  	[sflag:s21] =	ssyncset.done $0x0  }
0x58: {  	s0 =	sadd.s32 $0x5000, s28;
	[sflag:s21] =	ssyncadd.s32 $0xFFFFE000  }
0x59: {  	[spmem:s2] =	stream.indirect.scatter.add.bf16 [tilespmem:s19], [sflag:$0x4], $0x20, s0, s18, $0xb8;
	[tilespmem:$0x16680] =	vst v63  }
0x5a: {  	_ =	swait.ge [sflag:s15], $0x2000  }
0x5b: {  	[sflag:s15] =	ssyncset.done $0x0  }
0x5c: {  	s1 =	simm.s32 @!p0 $0x100;
	s17 =	simm.s32 @!p0 $0xE000;
	[sflag:s15] =	ssyncadd.s32 $0xFFFFE000  }
0x5d: {  	[spmem:s3] =	stream.indirect.scatter.add.f32 @!p0 [tilespmem:s17], [sflag:$0x3], $0x10, s0, s1, $0xb8;
	[tilespmem:$0x16680] =	vst v63  }
0x5e: {  	s30 =	sadd.s32 $0x200, s28  }
0x5f: {  	[tilespmem:s19], [sflag:$0x1] =	stream.indirect.gather [hbm4b:s10+s18], $0x20, s30, s18, $0xb8;
	[tilespmem:$0x16680] =	vst v63  }
0x60: {  	_ =	swait.ge [sflag:s22], $0x2000  }
0x61: {  	[sflag:s22] =	ssyncset.done $0x0  }
0x62: {  	s0 =	sadd.s32 $0x5100, s28;
	[sflag:s22] =	ssyncadd.s32 $0xFFFFE000  }
0x63: {  	[spmem:s2] =	stream.indirect.scatter.add.bf16 [tilespmem:s20], [sflag:$0x4], $0x20, s0, s18, $0xb8;
	[tilespmem:$0x16680] =	vst v63  }
0x64: {  	_ =	swait.ge [sflag:s15], $0x2000  }
0x65: {  	[sflag:s15] =	ssyncset.done $0x0  }
0x66: {  	s23 =	simm.s32 @!p1 $0x100;
	s28 =	simm.s32 @!p1 $0xE000;
	[sflag:s15] =	ssyncadd.s32 $0xFFFFE000  }
0x67: {  	[spmem:s3] =	stream.indirect.scatter.add.f32 @!p1 [tilespmem:s28], [sflag:$0x3], $0x10, s0, s23, $0xb8;
	[tilespmem:$0x16680] =	vst v63  }
0x68: {  	s31 =	simm.s32 $0x4F00  }
0x69: {  	[tilespmem:s20], [sflag:$0x2] =	stream.indirect.gather [hbm4b:s10+s18], $0x20, s31, s18, $0xb8;
	[tilespmem:$0x16680] =	vst v63  }
0x6a: {  	_ =	swait.ge [sflag:s21], $0x2000  }
0x6b: {  	[sflag:s21] =	ssyncset.done $0x0  }
0x6c: {  	[sflag:s21] =	ssyncadd.s32 $0xFFFFE000  }
0x6d: {  	[spmem:s2] =	stream.indirect.scatter.add.bf16 [tilespmem:s19], [sflag:$0x4], $0x20, s24, s18, $0xb8;
	[tilespmem:$0x16680] =	vst v63  }
0x6e: {  	_ =	swait.ge [sflag:s15], $0x2000  }
0x6f: {  	[sflag:s15] =	ssyncset.done $0x0  }
0x70: {  	s0 =	simm.s32 @p0 $0x2;
	[sflag:s15] =	ssyncadd.s32 $0xFFFFE000  }
0x71: {  	_ =	swait.ge @p0 [sflag:s0], $0x2000  }
0x72: {  	s23 =	simm.s32 @p0 $0x9F00;
	[sflag:s0] =	ssyncset.done @p0 $0x0  }
0x73: {  	s28 =	simm.s32 @p0 $0xC000;
	[sflag:s0] =	ssyncadd.s32 @p0 $0xFFFFE000;
	s0 =	simm.s32 @p0 $0x100  }
0x74: {  	[spmem:s2] =	stream.indirect.scatter.add.bf16 @p0 [tilespmem:s28], [sflag:$0x4], $0x20, s23, s0, $0xb8;
	[tilespmem:$0x16680] =	vst v63  }
0x75: {  	s28 =	simm.s32 @p0 $0x4  }
0x76: {  	_ =	swait.ge @p0 [sflag:s28], $0x2000  }
0x77: {  	[sflag:s28] =	ssyncset.done @p0 $0x0  }
0x78: {  	[sflag:s28] =	ssyncadd.s32 @p0 $0xFFFFE000;
	s28 =	simm.s32 @p0 $0xE000  }
0x79: {  	[spmem:s3] =	stream.indirect.scatter.add.f32 @p0 [tilespmem:s28], [sflag:$0x3], $0x10, s23, s0, $0xb8;
	[tilespmem:$0x16680] =	vst v63  }
0x7a: {  	s0 =	simm.s32 @!p0 $0x9E00  }
0x7b: {  	[spmem:s3] =	stream.indirect.scatter.add.f32 @!p0 [tilespmem:s17], [sflag:$0x3], $0x10, s0, s1, $0xb8;
	[tilespmem:$0x16680] =	vst v63  }
0x7c: {  	s0 =	simm.s32 @!p0 $0x2  }
0x7d: {  	_ =	swait.ge @!p0 [sflag:s0], $0x2000  }
0x7e: {  	[sflag:s0] =	ssyncset.done @!p0 $0x0  }
0x7f: {  	s17 =	simm.s32 @!p0 $0xC000;
	[sflag:s0] =	ssyncadd.s32 @!p0 $0xFFFFE000;
	s0 =	simm.s32 @!p0 $0x9F00  }
0x80: {  	[spmem:s2] =	stream.indirect.scatter.add.bf16 @!p0 [tilespmem:s17], [sflag:$0x4], $0x20, s0, s1, $0xb8;
	[tilespmem:$0x16680] =	vst v63  }
0x81: {  	s0 =	simm.s32 @!p0 $0x4  }
0x82: {  	_ =	swait.ge @!p0 [sflag:s0], $0x2000  }
0x83: {  	[sflag:s0] =	ssyncset.done @!p0 $0x0  }
0x84: {  	[sflag:s0] =	ssyncadd.s32 @!p0 $0xFFFFE000  }
0x85: {  	_ =	swait.ge [sflag:s25], $0x1000  }
0x86: {  	s0 =	simm.s32 $0x27;
	[sflag:s25] =	ssyncset.done $0x0  }
.LBB2_6:
0x87: {  	p2 =	sne.s32 s0, $0x1;
	s0 =	sadd.s32 $0xFFFFFFFF, s0;
	[sflag:s25] =	ssyncadd.s32 $0xFFFFF000  }
.Ltmp2:
0x88: {  	(pc) =	sbr.rel @p2 .LBB2_6-.Ltmp2, $3  }
0x89: {  	_ =	sdelay $0x1  }
0x8a: {  	_ =	swait.ge [sflag:s25], $0x1000  }
0x8b: {  	[sflag:s25] =	ssyncset.done $0x0  }
0x8c: {  	[sflag:s25] =	ssyncadd.s32 $0xFFFFF000  }
0x8d: {  	[bflag:$0x0] =	sbarrier.arrive $0xFFFF  }
0x8e: {  	[hbm:s11], [sflag:s6] =	dma.local [spmem:s14], $0x9E0  }
0x8f: {  	s26 =	sadd.s32 $0x1, s26;
	_ =	swait.ge [sflag:s15], $0x9E0  }
0x90: {  	p2 =	sne.s32 s26, s13;
	[sflag:s15] =	ssyncset.done $0x0  }
.Ltmp3:
0x91: {  	[sflag:s15] =	ssyncadd.s32 $0xFFFFF620;
	(pc) =	sbr.rel @p2 .LBB2_1-.Ltmp3, $4  }
0x92: {  	[hbm:s12], [sflag:s6] =	dma.local [spmem:s16], $0x4F0  }
0x93: {  	_ =	swait.ge [sflag:s15], $0x4F0  }
0x94: {  	[sflag:s15] =	ssyncset.done $0x0  }
0x95: {  	[sflag:s15] =	ssyncadd.s32 $0xFFFFFB10  }
0x96: {  	_ =	sfence.sel $0x180000  }
0x97: {  	[bflag:$0x0] =	sbarrier.arrive $0xFFFF  }
0x98: {  	_ =	strace $0x90000047  }
0x99: {  	s0 =	stileid.u32;
	[bflag:$0x2] =	sbarrier.arrive $0xFFFF  }
0x9a: {  	p0 =	sne.s32 s0, $0x0;
	s0 =	rddreg [dreg:$0x3]  }
0x9b: {  	s0 =	sadd.s32 @!p0 $0x100000, s0  }
0x9c: {  	[sflag:s0] =	ssyncadd.tile.s32 @!p0 $0x1;
	_ =	shalt  }
.Lfunc_end2:
_tile_overlayer_lowered:
.L_overlay_start_2:
0x9d: {  	(tag) =	ssettag $0x2  }
0x9e: {  	s0 =	rddreg [dreg:$0x0];
	s2 =	stileid.u32  }
0x9f: {  	s1 =	rddreg [dreg:$0x1];
	p0 =	sne.s32 s2, $0x0  }
0xa0: {  	s3 =	rddreg [dreg:$0x2];
	[bflag:$0x3] =	sbarrier.arrive $0xFFFF;
	s2 =	simm.s32 @!p0 $0x1C04  }
0xa1: {  	[timem:s3], [sflag:s2] =	dma.local @!p0 [hbm:s0], s1  }
0xa2: {  	s0 =	simm.s32 @!p0 $0x4  }
0xa3: {  	_ =	swait.ge @!p0 [sflag:s0], s1  }
0xa4: {  	s1 =	ssub.s32 @!p0 $0x0, s1;
	[sflag:s0] =	ssyncset.done @!p0 $0x0  }
0xa5: {  	[sflag:s0] =	ssyncadd.s32 @!p0 s1  }
0xa6: {  	[bflag:$0x3] =	sbarrier.arrive $0xFFFF  }
0xa7: {  	_ =	shalt  }

</sc_bundles>
